<compile_context>
chip_gen: v7x
topology: tpu7x:2x2x1
jax: 0.10.2.dev20260603
libtpu: 0.0.44.dev20260713+nightly
codegen_flags: <defaults>
</compile_context>

<pallas_src>
import functools

import jax
import jax.numpy as jnp
from jax import lax
from jax.experimental import pallas as pl
from jax.experimental.pallas import tpu as pltpu
from jax.experimental.pallas import tpu_sc as plsc

_D = 64
_L = 200
_LP = 256
_C1 = 104
_C2 = _L - _C1
_NBUF = 4
_RUNROLL = 8


@functools.partial(jax.jit, static_argnames=("num_workers",))
def _sc_mean_pool(idx, table, *, num_workers):
    batch = idx.shape[0] // _LP
    bpw = batch // num_workers
    mesh = plsc.VectorSubcoreMesh(core_axis_name="c", subcore_axis_name="s")
    num_cores = mesh.num_cores

    @functools.partial(
        pl.kernel,
        out_type=jax.ShapeDtypeStruct((batch, _D), jnp.float32),
        mesh=mesh,
        scratch_types=[
            pltpu.VMEM((bpw * _LP,), jnp.int32),
            pltpu.VMEM((_NBUF, _L, _D), jnp.float32),
            pltpu.VMEM((bpw, _D), jnp.float32),
            pltpu.SemaphoreType.DMA,
        ],
        compiler_params=pltpu.CompilerParams(use_tc_tiling_on_sc=False),
    )
    def body(idx_hbm, table_hbm, out_hbm, idx_v, rows_v, out_v, sem):
        wid = lax.axis_index("s") * num_cores + lax.axis_index("c")
        pltpu.sync_copy(idx_hbm.at[pl.ds(wid * (bpw * _LP), bpw * _LP)], idx_v)

        def row_copies(i, b):
            off = i * _LP
            c1 = pltpu.make_async_copy(
                table_hbm.at[idx_v.at[pl.ds(off, _C1)]],
                rows_v.at[b, pl.ds(0, _C1)],
                sem,
            )
            c2 = pltpu.make_async_copy(
                table_hbm.at[idx_v.at[pl.ds(off + _C1, _C2)]],
                rows_v.at[b, pl.ds(_C1, _C2)],
                sem,
            )
            return c1, c2

        def start_row(i, b):
            c1, c2 = row_copies(i, b)
            c1.start()
            c2.start()

        def wait_row(i, b):
            c1, c2 = row_copies(i, b)
            c1.wait()
            c2.wait()

        inv = jnp.float32(1.0 / _L)

        def reduce_row(i, b):
            def rbody(r, accs):
                res = list(accs)
                base = r * _RUNROLL
                for k in range(_RUNROLL):
                    for c in range(_D // 16):
                        res[c] = res[c] + rows_v[b, base + k, pl.ds(c * 16, 16)]
                return tuple(res)

            zero = jnp.zeros((16,), jnp.float32)
            accs = lax.fori_loop(0, _L // _RUNROLL, rbody, (zero,) * (_D // 16))
            for c in range(_D // 16):
                out_v[i, pl.ds(c * 16, 16)] = accs[c] * inv

        for b in range(_NBUF):
            start_row(b, b)

        def group(g, carry):
            for b in range(_NBUF):
                i = g * _NBUF + b
                wait_row(i, b)
                reduce_row(i, b)

                @pl.when(i + _NBUF < bpw)
                def _():
                    start_row(i + _NBUF, b)

            return carry

        lax.fori_loop(0, bpw // _NBUF, group, 0)
        pltpu.sync_copy(out_v, out_hbm.at[pl.ds(wid * bpw, bpw)])

    return body(idx, table)


def kernel(x, table):
    info = plsc.get_sparse_core_info()
    num_workers = info.num_cores * info.num_subcores
    xp = jnp.pad(x.astype(jnp.int32), ((0, 0), (0, _LP - _L))).reshape(-1)
    return _sc_mean_pool(xp, table, num_workers=num_workers)

# --- scband reference (transcript-rebuilt; emitter-appended) ---
"""Pipeline reference for scband-mean-encoder-88141318849010 (READ-ONLY COPY).

The authoritative reference and input builder live on the scoring server;
editing this copy changes nothing except your own understanding.
"""

import jax, jax.numpy as jnp
import numpy as np

VOCAB = 100000
EMBED_DIM = 64
BATCH = 4096
HIST = 200

def setup_inputs(seed: int = 0) -> dict:
    key = jax.random.key(seed)
    k1, k2 = jax.random.split(key)
    # Pretrained, frozen embedding table (nn.Embedding.from_pretrained keeps values as-is;
    # padding_idx=1 only affects gradients, not the stored row).
    table = jax.random.normal(k1, (VOCAB, EMBED_DIM), dtype=jnp.float32)
    x = jax.random.randint(k2, (BATCH, HIST), 0, VOCAB, dtype=jnp.int64)
    return {"x": x, "table": table}

def reference(x, table):
    # embeddings = self.embed(x)  -> gather rows
    embeddings = jnp.take(table, x, axis=0)  # [B, L, D]
    # return embeddings.mean(1)
    return embeddings.mean(axis=1)  # [B, D]

if __name__ == "__main__":
    import jax
    _d = setup_inputs()
    print(jax.jit(kernel)(*tuple(_d.values())))

</pallas_src>

<mosaic_0001>
#map = affine_map<(d0, d1) -> (0)>
#map1 = affine_map<(d0, d1) -> (0, 0)>
module attributes {stable_mosaic.version = 14 : i64} {
  func.func @body(%arg0: i32, %arg1: i32, %arg2: memref<1048576xi32, #tpu.memory_space<hbm>>, %arg3: memref<100000x64xf32, #tpu.memory_space<hbm>>, %arg4: memref<4096x64xf32, #tpu.memory_space<hbm>>, %arg5: memref<32768xi32, #tpu.memory_space<vmem>>, %arg6: memref<4x200x64xf32, #tpu.memory_space<vmem>>, %arg7: memref<128x64xf32, #tpu.memory_space<vmem>>, %arg8: memref<!tpu.dma_semaphore, #tpu.memory_space<semaphore_mem>>) attributes {dimension_semantics = [#tpu.dimension_semantics<core_parallel>, #tpu.dimension_semantics<subcore_parallel>], iteration_bounds = array<i64: 2, 16>, scalar_prefetch = 0 : i64, scratch_operands = 4 : i64, tpu.core_type = #tpu.core_type<sc_vector_subcore>, window_params = [{transform_indices = #map}, {transform_indices = #map1}, {transform_indices = #map1}]} {
    %mul3A = arith.constant 2 : i32
    %mul3A_0 = arith.muli %arg1, %mul3A : i32
    %add3A = arith.addi %mul3A_0, %arg0 : i32
    %mul3A_1 = arith.constant 32768 : i32
    %mul3A_2 = arith.muli %add3A, %mul3A_1 : i32
    "tpu.region"() ({
      %run_scoped3A = tpu.sem_alloc : memref<!tpu.dma_semaphore, #tpu.memory_space<semaphore_mem>>
      %dma_start3A_90 = tpu.memref_slice %arg2[%mul3A_2] : memref<1048576xi32, #tpu.memory_space<hbm>> -> memref<32768xi32, #tpu.memory_space<hbm>>
      %dma_start3A_91 = tpu.memref_slice %arg2[%mul3A_2] : memref<1048576xi32, #tpu.memory_space<hbm>> -> memref<32768xi32, #tpu.memory_space<hbm>>
      tpu.enqueue_dma source(%dma_start3A_91 : memref<32768xi32, #tpu.memory_space<hbm>>) target(%arg5 : memref<32768xi32, #tpu.memory_space<vmem>>) target_semaphore(%run_scoped3A : memref<!tpu.dma_semaphore, #tpu.memory_space<semaphore_mem>>)
      %dma_wait3A = tpu.memref_slice %arg2[%mul3A_2] : memref<1048576xi32, #tpu.memory_space<hbm>> -> memref<32768xi32, #tpu.memory_space<hbm>>
      %dma_wait3A_92 = tpu.memref_slice %arg2[%mul3A_2] : memref<1048576xi32, #tpu.memory_space<hbm>> -> memref<32768xi32, #tpu.memory_space<hbm>>
      tpu.wait_dma2 semaphore(%run_scoped3A : memref<!tpu.dma_semaphore, #tpu.memory_space<semaphore_mem>>) src(%dma_wait3A_92 : memref<32768xi32, #tpu.memory_space<hbm>>) dst(%arg5 : memref<32768xi32, #tpu.memory_space<vmem>>)
      tpu.yield
    }) : () -> ()
    %dma_start3A = arith.constant 0 : i32
    %dma_start3A_3 = arith.constant 0 : i32
    %dma_start3A_4 = arith.constant 0 : i32
    %dma_start3A_5 = tpu.memref_slice %arg6[%dma_start3A, %dma_start3A_3, %dma_start3A_4] : memref<4x200x64xf32, #tpu.memory_space<vmem>> -> memref<1x104x64xf32, #tpu.memory_space<vmem>>
    %dma_start3A_6 = tpu.memref_squeeze %dma_start3A_5 : memref<1x104x64xf32, #tpu.memory_space<vmem>> -> memref<104x64xf32, #tpu.memory_space<vmem>>
    %dma_start3A_7 = arith.constant 0 : i32
    %dma_start3A_8 = tpu.memref_slice %arg5[%dma_start3A_7] : memref<32768xi32, #tpu.memory_space<vmem>> -> memref<104xi32, #tpu.memory_space<vmem>>
    %dma_start3A_9 = arith.constant 0 : i32
    %dma_start3A_10 = arith.constant 0 : i32
    %dma_start3A_11 = tpu.memref_slice %arg3[%dma_start3A_9, %dma_start3A_10] : memref<100000x64xf32, #tpu.memory_space<hbm>> -> memref<100000x64xf32, #tpu.memory_space<hbm>>
    tpu.enqueue_indirect_dma source(%dma_start3A_11 : memref<100000x64xf32, #tpu.memory_space<hbm>>) target(%dma_start3A_6 : memref<104x64xf32, #tpu.memory_space<vmem>>) offsets(%dma_start3A_8 : memref<104xi32, #tpu.memory_space<vmem>>) semaphore(%arg8 : memref<!tpu.dma_semaphore, #tpu.memory_space<semaphore_mem>>)
    %dma_start3A_12 = arith.constant 0 : i32
    %dma_start3A_13 = arith.constant 104 : i32
    %dma_start3A_14 = arith.constant 0 : i32
    %dma_start3A_15 = tpu.memref_slice %arg6[%dma_start3A_12, %dma_start3A_13, %dma_start3A_14] : memref<4x200x64xf32, #tpu.memory_space<vmem>> -> memref<1x96x64xf32, #tpu.memory_space<vmem>>
    %dma_start3A_16 = tpu.memref_squeeze %dma_start3A_15 : memref<1x96x64xf32, #tpu.memory_space<vmem>> -> memref<96x64xf32, #tpu.memory_space<vmem>>
    %dma_start3A_17 = arith.constant 104 : i32
    %dma_start3A_18 = tpu.memref_slice %arg5[%dma_start3A_17] : memref<32768xi32, #tpu.memory_space<vmem>> -> memref<96xi32, #tpu.memory_space<vmem>>
    %dma_start3A_19 = arith.constant 0 : i32
    %dma_start3A_20 = arith.constant 0 : i32
    %dma_start3A_21 = tpu.memref_slice %arg3[%dma_start3A_19, %dma_start3A_20] : memref<100000x64xf32, #tpu.memory_space<hbm>> -> memref<100000x64xf32, #tpu.memory_space<hbm>>
    tpu.enqueue_indirect_dma source(%dma_start3A_21 : memref<100000x64xf32, #tpu.memory_space<hbm>>) target(%dma_start3A_16 : memref<96x64xf32, #tpu.memory_space<vmem>>) offsets(%dma_start3A_18 : memref<96xi32, #tpu.memory_space<vmem>>) semaphore(%arg8 : memref<!tpu.dma_semaphore, #tpu.memory_space<semaphore_mem>>)
    %dma_start3A_22 = arith.constant 1 : i32
    %dma_start3A_23 = arith.constant 0 : i32
    %dma_start3A_24 = arith.constant 0 : i32
    %dma_start3A_25 = tpu.memref_slice %arg6[%dma_start3A_22, %dma_start3A_23, %dma_start3A_24] : memref<4x200x64xf32, #tpu.memory_space<vmem>> -> memref<1x104x64xf32, #tpu.memory_space<vmem>>
    %dma_start3A_26 = tpu.memref_squeeze %dma_start3A_25 : memref<1x104x64xf32, #tpu.memory_space<vmem>> -> memref<104x64xf32, #tpu.memory_space<vmem>>
    %dma_start3A_27 = arith.constant 256 : i32
    %dma_start3A_28 = tpu.memref_slice %arg5[%dma_start3A_27] : memref<32768xi32, #tpu.memory_space<vmem>> -> memref<104xi32, #tpu.memory_space<vmem>>
    %dma_start3A_29 = arith.constant 0 : i32
    %dma_start3A_30 = arith.constant 0 : i32
    %dma_start3A_31 = tpu.memref_slice %arg3[%dma_start3A_29, %dma_start3A_30] : memref<100000x64xf32, #tpu.memory_space<hbm>> -> memref<100000x64xf32, #tpu.memory_space<hbm>>
    tpu.enqueue_indirect_dma source(%dma_start3A_31 : memref<100000x64xf32, #tpu.memory_space<hbm>>) target(%dma_start3A_26 : memref<104x64xf32, #tpu.memory_space<vmem>>) offsets(%dma_start3A_28 : memref<104xi32, #tpu.memory_space<vmem>>) semaphore(%arg8 : memref<!tpu.dma_semaphore, #tpu.memory_space<semaphore_mem>>)
    %dma_start3A_32 = arith.constant 1 : i32
    %dma_start3A_33 = arith.constant 104 : i32
    %dma_start3A_34 = arith.constant 0 : i32
    %dma_start3A_35 = tpu.memref_slice %arg6[%dma_start3A_32, %dma_start3A_33, %dma_start3A_34] : memref<4x200x64xf32, #tpu.memory_space<vmem>> -> memref<1x96x64xf32, #tpu.memory_space<vmem>>
    %dma_start3A_36 = tpu.memref_squeeze %dma_start3A_35 : memref<1x96x64xf32, #tpu.memory_space<vmem>> -> memref<96x64xf32, #tpu.memory_space<vmem>>
    %dma_start3A_37 = arith.constant 360 : i32
    %dma_start3A_38 = tpu.memref_slice %arg5[%dma_start3A_37] : memref<32768xi32, #tpu.memory_space<vmem>> -> memref<96xi32, #tpu.memory_space<vmem>>
    %dma_start3A_39 = arith.constant 0 : i32
    %dma_start3A_40 = arith.constant 0 : i32
    %dma_start3A_41 = tpu.memref_slice %arg3[%dma_start3A_39, %dma_start3A_40] : memref<100000x64xf32, #tpu.memory_space<hbm>> -> memref<100000x64xf32, #tpu.memory_space<hbm>>
    tpu.enqueue_indirect_dma source(%dma_start3A_41 : memref<100000x64xf32, #tpu.memory_space<hbm>>) target(%dma_start3A_36 : memref<96x64xf32, #tpu.memory_space<vmem>>) offsets(%dma_start3A_38 : memref<96xi32, #tpu.memory_space<vmem>>) semaphore(%arg8 : memref<!tpu.dma_semaphore, #tpu.memory_space<semaphore_mem>>)
    %dma_start3A_42 = arith.constant 2 : i32
    %dma_start3A_43 = arith.constant 0 : i32
    %dma_start3A_44 = arith.constant 0 : i32
    %dma_start3A_45 = tpu.memref_slice %arg6[%dma_start3A_42, %dma_start3A_43, %dma_start3A_44] : memref<4x200x64xf32, #tpu.memory_space<vmem>> -> memref<1x104x64xf32, #tpu.memory_space<vmem>>
    %dma_start3A_46 = tpu.memref_squeeze %dma_start3A_45 : memref<1x104x64xf32, #tpu.memory_space<vmem>> -> memref<104x64xf32, #tpu.memory_space<vmem>>
    %dma_start3A_47 = arith.constant 512 : i32
    %dma_start3A_48 = tpu.memref_slice %arg5[%dma_start3A_47] : memref<32768xi32, #tpu.memory_space<vmem>> -> memref<104xi32, #tpu.memory_space<vmem>>
    %dma_start3A_49 = arith.constant 0 : i32
    %dma_start3A_50 = arith.constant 0 : i32
    %dma_start3A_51 = tpu.memref_slice %arg3[%dma_start3A_49, %dma_start3A_50] : memref<100000x64xf32, #tpu.memory_space<hbm>> -> memref<100000x64xf32, #tpu.memory_space<hbm>>
    tpu.enqueue_indirect_dma source(%dma_start3A_51 : memref<100000x64xf32, #tpu.memory_space<hbm>>) target(%dma_start3A_46 : memref<104x64xf32, #tpu.memory_space<vmem>>) offsets(%dma_start3A_48 : memref<104xi32, #tpu.memory_space<vmem>>) semaphore(%arg8 : memref<!tpu.dma_semaphore, #tpu.memory_space<semaphore_mem>>)
    %dma_start3A_52 = arith.constant 2 : i32
    %dma_start3A_53 = arith.constant 104 : i32
    %dma_start3A_54 = arith.constant 0 : i32
    %dma_start3A_55 = tpu.memref_slice %arg6[%dma_start3A_52, %dma_start3A_53, %dma_start3A_54] : memref<4x200x64xf32, #tpu.memory_space<vmem>> -> memref<1x96x64xf32, #tpu.memory_space<vmem>>
    %dma_start3A_56 = tpu.memref_squeeze %dma_start3A_55 : memref<1x96x64xf32, #tpu.memory_space<vmem>> -> memref<96x64xf32, #tpu.memory_space<vmem>>
    %dma_start3A_57 = arith.constant 616 : i32
    %dma_start3A_58 = tpu.memref_slice %arg5[%dma_start3A_57] : memref<32768xi32, #tpu.memory_space<vmem>> -> memref<96xi32, #tpu.memory_space<vmem>>
    %dma_start3A_59 = arith.constant 0 : i32
    %dma_start3A_60 = arith.constant 0 : i32
    %dma_start3A_61 = tpu.memref_slice %arg3[%dma_start3A_59, %dma_start3A_60] : memref<100000x64xf32, #tpu.memory_space<hbm>> -> memref<100000x64xf32, #tpu.memory_space<hbm>>
    tpu.enqueue_indirect_dma source(%dma_start3A_61 : memref<100000x64xf32, #tpu.memory_space<hbm>>) target(%dma_start3A_56 : memref<96x64xf32, #tpu.memory_space<vmem>>) offsets(%dma_start3A_58 : memref<96xi32, #tpu.memory_space<vmem>>) semaphore(%arg8 : memref<!tpu.dma_semaphore, #tpu.memory_space<semaphore_mem>>)
    %dma_start3A_62 = arith.constant 3 : i32
    %dma_start3A_63 = arith.constant 0 : i32
    %dma_start3A_64 = arith.constant 0 : i32
    %dma_start3A_65 = tpu.memref_slice %arg6[%dma_start3A_62, %dma_start3A_63, %dma_start3A_64] : memref<4x200x64xf32, #tpu.memory_space<vmem>> -> memref<1x104x64xf32, #tpu.memory_space<vmem>>
    %dma_start3A_66 = tpu.memref_squeeze %dma_start3A_65 : memref<1x104x64xf32, #tpu.memory_space<vmem>> -> memref<104x64xf32, #tpu.memory_space<vmem>>
    %dma_start3A_67 = arith.constant 768 : i32
    %dma_start3A_68 = tpu.memref_slice %arg5[%dma_start3A_67] : memref<32768xi32, #tpu.memory_space<vmem>> -> memref<104xi32, #tpu.memory_space<vmem>>
    %dma_start3A_69 = arith.constant 0 : i32
    %dma_start3A_70 = arith.constant 0 : i32
    %dma_start3A_71 = tpu.memref_slice %arg3[%dma_start3A_69, %dma_start3A_70] : memref<100000x64xf32, #tpu.memory_space<hbm>> -> memref<100000x64xf32, #tpu.memory_space<hbm>>
    tpu.enqueue_indirect_dma source(%dma_start3A_71 : memref<100000x64xf32, #tpu.memory_space<hbm>>) target(%dma_start3A_66 : memref<104x64xf32, #tpu.memory_space<vmem>>) offsets(%dma_start3A_68 : memref<104xi32, #tpu.memory_space<vmem>>) semaphore(%arg8 : memref<!tpu.dma_semaphore, #tpu.memory_space<semaphore_mem>>)
    %dma_start3A_72 = arith.constant 3 : i32
    %dma_start3A_73 = arith.constant 104 : i32
    %dma_start3A_74 = arith.constant 0 : i32
    %dma_start3A_75 = tpu.memref_slice %arg6[%dma_start3A_72, %dma_start3A_73, %dma_start3A_74] : memref<4x200x64xf32, #tpu.memory_space<vmem>> -> memref<1x96x64xf32, #tpu.memory_space<vmem>>
    %dma_start3A_76 = tpu.memref_squeeze %dma_start3A_75 : memref<1x96x64xf32, #tpu.memory_space<vmem>> -> memref<96x64xf32, #tpu.memory_space<vmem>>
    %dma_start3A_77 = arith.constant 872 : i32
    %dma_start3A_78 = tpu.memref_slice %arg5[%dma_start3A_77] : memref<32768xi32, #tpu.memory_space<vmem>> -> memref<96xi32, #tpu.memory_space<vmem>>
    %dma_start3A_79 = arith.constant 0 : i32
    %dma_start3A_80 = arith.constant 0 : i32
    %dma_start3A_81 = tpu.memref_slice %arg3[%dma_start3A_79, %dma_start3A_80] : memref<100000x64xf32, #tpu.memory_space<hbm>> -> memref<100000x64xf32, #tpu.memory_space<hbm>>
    tpu.enqueue_indirect_dma source(%dma_start3A_81 : memref<100000x64xf32, #tpu.memory_space<hbm>>) target(%dma_start3A_76 : memref<96x64xf32, #tpu.memory_space<vmem>>) offsets(%dma_start3A_78 : memref<96xi32, #tpu.memory_space<vmem>>) semaphore(%arg8 : memref<!tpu.dma_semaphore, #tpu.memory_space<semaphore_mem>>)
    %scan3A = arith.constant 0 : i32
    %scan3A_82 = arith.constant 5.000000e-03 : f32
    %scan3A_83 = arith.constant 0 : i32
    %scan3A_84 = arith.constant 32 : i32
    %scan3A_85 = arith.addi %scan3A_83, %scan3A_84 : i32
    %scan3A_86 = arith.constant 1 : i32
    scf.for %scan3A_90 = %scan3A_83 to %scan3A_85 step %scan3A_86  : i32 {
      %mul3A_91 = arith.constant 4 : i32
      %mul3A_92 = arith.muli %scan3A_90, %mul3A_91 : i32
      %add3A_93 = arith.constant 0 : i32
      %add3A_94 = arith.addi %mul3A_92, %add3A_93 : i32
      %mul3A_95 = arith.constant 256 : i32
      %mul3A_96 = arith.muli %add3A_94, %mul3A_95 : i32
      %add3A_97 = arith.constant 104 : i32
      %add3A_98 = arith.addi %mul3A_96, %add3A_97 : i32
      %dma_wait3A = arith.constant 0 : i32
      %dma_wait3A_99 = arith.constant 0 : i32
      %dma_wait3A_100 = arith.constant 0 : i32
      %dma_wait3A_101 = tpu.memref_slice %arg6[%dma_wait3A, %dma_wait3A_99, %dma_wait3A_100] : memref<4x200x64xf32, #tpu.memory_space<vmem>> -> memref<1x104x64xf32, #tpu.memory_space<vmem>>
      %dma_wait3A_102 = tpu.memref_squeeze %dma_wait3A_101 : memref<1x104x64xf32, #tpu.memory_space<vmem>> -> memref<104x64xf32, #tpu.memory_space<vmem>>
      %dma_wait3A_103 = tpu.memref_slice %arg5[%mul3A_96] : memref<32768xi32, #tpu.memory_space<vmem>> -> memref<104xi32, #tpu.memory_space<vmem>>
      %dma_wait3A_104 = arith.constant 0 : i32
      %dma_wait3A_105 = arith.constant 0 : i32
      %dma_wait3A_106 = tpu.memref_slice %arg3[%dma_wait3A_104, %dma_wait3A_105] : memref<100000x64xf32, #tpu.memory_space<hbm>> -> memref<100000x64xf32, #tpu.memory_space<hbm>>
      tpu.wait_indirect_dma semaphore(%arg8 : memref<!tpu.dma_semaphore, #tpu.memory_space<semaphore_mem>>) src(%dma_wait3A_106 : memref<100000x64xf32, #tpu.memory_space<hbm>>) dst(%dma_wait3A_102 : memref<104x64xf32, #tpu.memory_space<vmem>>)
      %dma_wait3A_107 = arith.constant 0 : i32
      %dma_wait3A_108 = arith.constant 104 : i32
      %dma_wait3A_109 = arith.constant 0 : i32
      %dma_wait3A_110 = tpu.memref_slice %arg6[%dma_wait3A_107, %dma_wait3A_108, %dma_wait3A_109] : memref<4x200x64xf32, #tpu.memory_space<vmem>> -> memref<1x96x64xf32, #tpu.memory_space<vmem>>
      %dma_wait3A_111 = tpu.memref_squeeze %dma_wait3A_110 : memref<1x96x64xf32, #tpu.memory_space<vmem>> -> memref<96x64xf32, #tpu.memory_space<vmem>>
      %dma_wait3A_112 = tpu.memref_slice %arg5[%add3A_98] : memref<32768xi32, #tpu.memory_space<vmem>> -> memref<96xi32, #tpu.memory_space<vmem>>
      %dma_wait3A_113 = arith.constant 0 : i32
      %dma_wait3A_114 = arith.constant 0 : i32
      %dma_wait3A_115 = tpu.memref_slice %arg3[%dma_wait3A_113, %dma_wait3A_114] : memref<100000x64xf32, #tpu.memory_space<hbm>> -> memref<100000x64xf32, #tpu.memory_space<hbm>>
      tpu.wait_indirect_dma semaphore(%arg8 : memref<!tpu.dma_semaphore, #tpu.memory_space<semaphore_mem>>) src(%dma_wait3A_115 : memref<100000x64xf32, #tpu.memory_space<hbm>>) dst(%dma_wait3A_111 : memref<96x64xf32, #tpu.memory_space<vmem>>)
      %broadcast_in_dim3A = arith.constant 0.000000e+00 : f32
      %broadcast_in_dim3A_116 = vector.broadcast %broadcast_in_dim3A : f32 to vector<16xf32>
      %scan3A_117 = arith.constant 0 : i32
      %scan3A_118 = arith.constant 25 : i32
      %scan3A_119 = arith.addi %scan3A_117, %scan3A_118 : i32
      %scan3A_120 = arith.constant 1 : i32
      %scan3A_121:4 = scf.for %scan3A_361 = %scan3A_117 to %scan3A_119 step %scan3A_120 iter_args(%scan3A_362 = %broadcast_in_dim3A_116, %scan3A_363 = %broadcast_in_dim3A_116, %scan3A_364 = %broadcast_in_dim3A_116, %scan3A_365 = %broadcast_in_dim3A_116) -> (vector<16xf32>, vector<16xf32>, vector<16xf32>, vector<16xf32>)  : i32 {
        %mul3A_366 = arith.constant 8 : i32
        %mul3A_367 = arith.muli %scan3A_361, %mul3A_366 : i32
        %add3A_368 = arith.constant 0 : i32
        %add3A_369 = arith.addi %mul3A_367, %add3A_368 : i32
        %get3A = arith.constant 0 : i32
        %get3A_370 = arith.index_cast %get3A : i32 to index
        %get3A_371 = arith.index_cast %add3A_369 : i32 to index
        %get3A_372 = arith.constant 0 : index
        %get3A_373 = tpu.vector_load %arg6[%get3A_370, %get3A_371, %get3A_372] {strides = array<i32>} : memref<4x200x64xf32, #tpu.memory_space<vmem>>, vector<1x1x16xf32>,
        %get3A_374 = vector.shape_cast %get3A_373 : vector<1x1x16xf32> to vector<16xf32>
        %add3A_375 = arith.addf %scan3A_362, %get3A_374 : vector<16xf32>
        %add3A_376 = arith.constant 0 : i32
        %add3A_377 = arith.addi %mul3A_367, %add3A_376 : i32
        %get3A_378 = arith.constant 0 : i32
        %get3A_379 = arith.index_cast %get3A_378 : i32 to index
        %get3A_380 = arith.index_cast %add3A_377 : i32 to index
        %get3A_381 = arith.constant 16 : index
        %get3A_382 = tpu.vector_load %arg6[%get3A_379, %get3A_380, %get3A_381] {strides = array<i32>} : memref<4x200x64xf32, #tpu.memory_space<vmem>>, vector<1x1x16xf32>,
        %get3A_383 = vector.shape_cast %get3A_382 : vector<1x1x16xf32> to vector<16xf32>
        %add3A_384 = arith.addf %scan3A_363, %get3A_383 : vector<16xf32>
        %add3A_385 = arith.constant 0 : i32
        %add3A_386 = arith.addi %mul3A_367, %add3A_385 : i32
        %get3A_387 = arith.constant 0 : i32
        %get3A_388 = arith.index_cast %get3A_387 : i32 to index
        %get3A_389 = arith.index_cast %add3A_386 : i32 to index
        %get3A_390 = arith.constant 32 : index
        %get3A_391 = tpu.vector_load %arg6[%get3A_388, %get3A_389, %get3A_390] {strides = array<i32>} : memref<4x200x64xf32, #tpu.memory_space<vmem>>, vector<1x1x16xf32>,
        %get3A_392 = vector.shape_cast %get3A_391 : vector<1x1x16xf32> to vector<16xf32>
        %add3A_393 = arith.addf %scan3A_364, %get3A_392 : vector<16xf32>
        %add3A_394 = arith.constant 0 : i32
        %add3A_395 = arith.addi %mul3A_367, %add3A_394 : i32
        %get3A_396 = arith.constant 0 : i32
        %get3A_397 = arith.index_cast %get3A_396 : i32 to index
        %get3A_398 = arith.index_cast %add3A_395 : i32 to index
        %get3A_399 = arith.constant 48 : index
        %get3A_400 = tpu.vector_load %arg6[%get3A_397, %get3A_398, %get3A_399] {strides = array<i32>} : memref<4x200x64xf32, #tpu.memory_space<vmem>>, vector<1x1x16xf32>,
        %get3A_401 = vector.shape_cast %get3A_400 : vector<1x1x16xf32> to vector<16xf32>
        %add3A_402 = arith.addf %scan3A_365, %get3A_401 : vector<16xf32>
        %add3A_403 = arith.constant 1 : i32
        %add3A_404 = arith.addi %mul3A_367, %add3A_403 : i32
        %get3A_405 = arith.constant 0 : i32
        %get3A_406 = arith.index_cast %get3A_405 : i32 to index
        %get3A_407 = arith.index_cast %add3A_404 : i32 to index
        %get3A_408 = arith.constant 0 : index
        %get3A_409 = tpu.vector_load %arg6[%get3A_406, %get3A_407, %get3A_408] {strides = array<i32>} : memref<4x200x64xf32, #tpu.memory_space<vmem>>, vector<1x1x16xf32>,
        %get3A_410 = vector.shape_cast %get3A_409 : vector<1x1x16xf32> to vector<16xf32>
        %add3A_411 = arith.addf %add3A_375, %get3A_410 : vector<16xf32>
        %add3A_412 = arith.constant 1 : i32
        %add3A_413 = arith.addi %mul3A_367, %add3A_412 : i32
        %get3A_414 = arith.constant 0 : i32
        %get3A_415 = arith.index_cast %get3A_414 : i32 to index
        %get3A_416 = arith.index_cast %add3A_413 : i32 to index
        %get3A_417 = arith.constant 16 : index
        %get3A_418 = tpu.vector_load %arg6[%get3A_415, %get3A_416, %get3A_417] {strides = array<i32>} : memref<4x200x64xf32, #tpu.memory_space<vmem>>, vector<1x1x16xf32>,
        %get3A_419 = vector.shape_cast %get3A_418 : vector<1x1x16xf32> to vector<16xf32>
        %add3A_420 = arith.addf %add3A_384, %get3A_419 : vector<16xf32>
        %add3A_421 = arith.constant 1 : i32
        %add3A_422 = arith.addi %mul3A_367, %add3A_421 : i32
        %get3A_423 = arith.constant 0 : i32
        %get3A_424 = arith.index_cast %get3A_423 : i32 to index
        %get3A_425 = arith.index_cast %add3A_422 : i32 to index
        %get3A_426 = arith.constant 32 : index
        %get3A_427 = tpu.vector_load %arg6[%get3A_424, %get3A_425, %get3A_426] {strides = array<i32>} : memref<4x200x64xf32, #tpu.memory_space<vmem>>, vector<1x1x16xf32>,
        %get3A_428 = vector.shape_cast %get3A_427 : vector<1x1x16xf32> to vector<16xf32>
        %add3A_429 = arith.addf %add3A_393, %get3A_428 : vector<16xf32>
        %add3A_430 = arith.constant 1 : i32
        %add3A_431 = arith.addi %mul3A_367, %add3A_430 : i32
        %get3A_432 = arith.constant 0 : i32
        %get3A_433 = arith.index_cast %get3A_432 : i32 to index
        %get3A_434 = arith.index_cast %add3A_431 : i32 to index
        %get3A_435 = arith.constant 48 : index
        %get3A_436 = tpu.vector_load %arg6[%get3A_433, %get3A_434, %get3A_435] {strides = array<i32>} : memref<4x200x64xf32, #tpu.memory_space<vmem>>, vector<1x1x16xf32>,
        %get3A_437 = vector.shape_cast %get3A_436 : vector<1x1x16xf32> to vector<16xf32>
        %add3A_438 = arith.addf %add3A_402, %get3A_437 : vector<16xf32>
        %add3A_439 = arith.constant 2 : i32
        %add3A_440 = arith.addi %mul3A_367, %add3A_439 : i32
        %get3A_441 = arith.constant 0 : i32
        %get3A_442 = arith.index_cast %get3A_441 : i32 to index
        %get3A_443 = arith.index_cast %add3A_440 : i32 to index
        %get3A_444 = arith.constant 0 : index
        %get3A_445 = tpu.vector_load %arg6[%get3A_442, %get3A_443, %get3A_444] {strides = array<i32>} : memref<4x200x64xf32, #tpu.memory_space<vmem>>, vector<1x1x16xf32>,
        %get3A_446 = vector.shape_cast %get3A_445 : vector<1x1x16xf32> to vector<16xf32>
        %add3A_447 = arith.addf %add3A_411, %get3A_446 : vector<16xf32>
        %add3A_448 = arith.constant 2 : i32
        %add3A_449 = arith.addi %mul3A_367, %add3A_448 : i32
        %get3A_450 = arith.constant 0 : i32
        %get3A_451 = arith.index_cast %get3A_450 : i32 to index
        %get3A_452 = arith.index_cast %add3A_449 : i32 to index
        %get3A_453 = arith.constant 16 : index
        %get3A_454 = tpu.vector_load %arg6[%get3A_451, %get3A_452, %get3A_453] {strides = array<i32>} : memref<4x200x64xf32, #tpu.memory_space<vmem>>, vector<1x1x16xf32>,
        %get3A_455 = vector.shape_cast %get3A_454 : vector<1x1x16xf32> to vector<16xf32>
        %add3A_456 = arith.addf %add3A_420, %get3A_455 : vector<16xf32>
        %add3A_457 = arith.constant 2 : i32
        %add3A_458 = arith.addi %mul3A_367, %add3A_457 : i32
        %get3A_459 = arith.constant 0 : i32
        %get3A_460 = arith.index_cast %get3A_459 : i32 to index
        %get3A_461 = arith.index_cast %add3A_458 : i32 to index
        %get3A_462 = arith.constant 32 : index
        %get3A_463 = tpu.vector_load %arg6[%get3A_460, %get3A_461, %get3A_462] {strides = array<i32>} : memref<4x200x64xf32, #tpu.memory_space<vmem>>, vector<1x1x16xf32>,
        %get3A_464 = vector.shape_cast %get3A_463 : vector<1x1x16xf32> to vector<16xf32>
        %add3A_465 = arith.addf %add3A_429, %get3A_464 : vector<16xf32>
        %add3A_466 = arith.constant 2 : i32
        %add3A_467 = arith.addi %mul3A_367, %add3A_466 : i32
        %get3A_468 = arith.constant 0 : i32
        %get3A_469 = arith.index_cast %get3A_468 : i32 to index
        %get3A_470 = arith.index_cast %add3A_467 : i32 to index
        %get3A_471 = arith.constant 48 : index
        %get3A_472 = tpu.vector_load %arg6[%get3A_469, %get3A_470, %get3A_471] {strides = array<i32>} : memref<4x200x64xf32, #tpu.memory_space<vmem>>, vector<1x1x16xf32>,
        %get3A_473 = vector.shape_cast %get3A_472 : vector<1x1x16xf32> to vector<16xf32>
        %add3A_474 = arith.addf %add3A_438, %get3A_473 : vector<16xf32>
        %add3A_475 = arith.constant 3 : i32
        %add3A_476 = arith.addi %mul3A_367, %add3A_475 : i32
        %get3A_477 = arith.constant 0 : i32
        %get3A_478 = arith.index_cast %get3A_477 : i32 to index
        %get3A_479 = arith.index_cast %add3A_476 : i32 to index
        %get3A_480 = arith.constant 0 : index
        %get3A_481 = tpu.vector_load %arg6[%get3A_478, %get3A_479, %get3A_480] {strides = array<i32>} : memref<4x200x64xf32, #tpu.memory_space<vmem>>, vector<1x1x16xf32>,
        %get3A_482 = vector.shape_cast %get3A_481 : vector<1x1x16xf32> to vector<16xf32>
        %add3A_483 = arith.addf %add3A_447, %get3A_482 : vector<16xf32>
        %add3A_484 = arith.constant 3 : i32
        %add3A_485 = arith.addi %mul3A_367, %add3A_484 : i32
        %get3A_486 = arith.constant 0 : i32
        %get3A_487 = arith.index_cast %get3A_486 : i32 to index
        %get3A_488 = arith.index_cast %add3A_485 : i32 to index
        %get3A_489 = arith.constant 16 : index
        %get3A_490 = tpu.vector_load %arg6[%get3A_487, %get3A_488, %get3A_489] {strides = array<i32>} : memref<4x200x64xf32, #tpu.memory_space<vmem>>, vector<1x1x16xf32>,
        %get3A_491 = vector.shape_cast %get3A_490 : vector<1x1x16xf32> to vector<16xf32>
        %add3A_492 = arith.addf %add3A_456, %get3A_491 : vector<16xf32>
        %add3A_493 = arith.constant 3 : i32
        %add3A_494 = arith.addi %mul3A_367, %add3A_493 : i32
        %get3A_495 = arith.constant 0 : i32
        %get3A_496 = arith.index_cast %get3A_495 : i32 to index
        %get3A_497 = arith.index_cast %add3A_494 : i32 to index
        %get3A_498 = arith.constant 32 : index
        %get3A_499 = tpu.vector_load %arg6[%get3A_496, %get3A_497, %get3A_498] {strides = array<i32>} : memref<4x200x64xf32, #tpu.memory_space<vmem>>, vector<1x1x16xf32>,
        %get3A_500 = vector.shape_cast %get3A_499 : vector<1x1x16xf32> to vector<16xf32>
        %add3A_501 = arith.addf %add3A_465, %get3A_500 : vector<16xf32>
        %add3A_502 = arith.constant 3 : i32
        %add3A_503 = arith.addi %mul3A_367, %add3A_502 : i32
        %get3A_504 = arith.constant 0 : i32
        %get3A_505 = arith.index_cast %get3A_504 : i32 to index
        %get3A_506 = arith.index_cast %add3A_503 : i32 to index
        %get3A_507 = arith.constant 48 : index
        %get3A_508 = tpu.vector_load %arg6[%get3A_505, %get3A_506, %get3A_507] {strides = array<i32>} : memref<4x200x64xf32, #tpu.memory_space<vmem>>, vector<1x1x16xf32>,
        %get3A_509 = vector.shape_cast %get3A_508 : vector<1x1x16xf32> to vector<16xf32>
        %add3A_510 = arith.addf %add3A_474, %get3A_509 : vector<16xf32>
        %add3A_511 = arith.constant 4 : i32
        %add3A_512 = arith.addi %mul3A_367, %add3A_511 : i32
        %get3A_513 = arith.constant 0 : i32
        %get3A_514 = arith.index_cast %get3A_513 : i32 to index
        %get3A_515 = arith.index_cast %add3A_512 : i32 to index
        %get3A_516 = arith.constant 0 : index
        %get3A_517 = tpu.vector_load %arg6[%get3A_514, %get3A_515, %get3A_516] {strides = array<i32>} : memref<4x200x64xf32, #tpu.memory_space<vmem>>, vector<1x1x16xf32>,
        %get3A_518 = vector.shape_cast %get3A_517 : vector<1x1x16xf32> to vector<16xf32>
        %add3A_519 = arith.addf %add3A_483, %get3A_518 : vector<16xf32>
        %add3A_520 = arith.constant 4 : i32
        %add3A_521 = arith.addi %mul3A_367, %add3A_520 : i32
        %get3A_522 = arith.constant 0 : i32
        %get3A_523 = arith.index_cast %get3A_522 : i32 to index
        %get3A_524 = arith.index_cast %add3A_521 : i32 to index
        %get3A_525 = arith.constant 16 : index
        %get3A_526 = tpu.vector_load %arg6[%get3A_523, %get3A_524, %get3A_525] {strides = array<i32>} : memref<4x200x64xf32, #tpu.memory_space<vmem>>, vector<1x1x16xf32>,
        %get3A_527 = vector.shape_cast %get3A_526 : vector<1x1x16xf32> to vector<16xf32>
        %add3A_528 = arith.addf %add3A_492, %get3A_527 : vector<16xf32>
        %add3A_529 = arith.constant 4 : i32
        %add3A_530 = arith.addi %mul3A_367, %add3A_529 : i32
        %get3A_531 = arith.constant 0 : i32
        %get3A_532 = arith.index_cast %get3A_531 : i32 to index
        %get3A_533 = arith.index_cast %add3A_530 : i32 to index
        %get3A_534 = arith.constant 32 : index
        %get3A_535 = tpu.vector_load %arg6[%get3A_532, %get3A_533, %get3A_534] {strides = array<i32>} : memref<4x200x64xf32, #tpu.memory_space<vmem>>, vector<1x1x16xf32>,
        %get3A_536 = vector.shape_cast %get3A_535 : vector<1x1x16xf32> to vector<16xf32>
        %add3A_537 = arith.addf %add3A_501, %get3A_536 : vector<16xf32>
        %add3A_538 = arith.constant 4 : i32
        %add3A_539 = arith.addi %mul3A_367, %add3A_538 : i32
        %get3A_540 = arith.constant 0 : i32
        %get3A_541 = arith.index_cast %get3A_540 : i32 to index
        %get3A_542 = arith.index_cast %add3A_539 : i32 to index
        %get3A_543 = arith.constant 48 : index
        %get3A_544 = tpu.vector_load %arg6[%get3A_541, %get3A_542, %get3A_543] {strides = array<i32>} : memref<4x200x64xf32, #tpu.memory_space<vmem>>, vector<1x1x16xf32>,
        %get3A_545 = vector.shape_cast %get3A_544 : vector<1x1x16xf32> to vector<16xf32>
        %add3A_546 = arith.addf %add3A_510, %get3A_545 : vector<16xf32>
        %add3A_547 = arith.constant 5 : i32
        %add3A_548 = arith.addi %mul3A_367, %add3A_547 : i32
        %get3A_549 = arith.constant 0 : i32
        %get3A_550 = arith.index_cast %get3A_549 : i32 to index
        %get3A_551 = arith.index_cast %add3A_548 : i32 to index
        %get3A_552 = arith.constant 0 : index
        %get3A_553 = tpu.vector_load %arg6[%get3A_550, %get3A_551, %get3A_552] {strides = array<i32>} : memref<4x200x64xf32, #tpu.memory_space<vmem>>, vector<1x1x16xf32>,
        %get3A_554 = vector.shape_cast %get3A_553 : vector<1x1x16xf32> to vector<16xf32>
        %add3A_555 = arith.addf %add3A_519, %get3A_554 : vector<16xf32>
        %add3A_556 = arith.constant 5 : i32
        %add3A_557 = arith.addi %mul3A_367, %add3A_556 : i32
        %get3A_558 = arith.constant 0 : i32
        %get3A_559 = arith.index_cast %get3A_558 : i32 to index
        %get3A_560 = arith.index_cast %add3A_557 : i32 to index
        %get3A_561 = arith.constant 16 : index
        %get3A_562 = tpu.vector_load %arg6[%get3A_559, %get3A_560, %get3A_561] {strides = array<i32>} : memref<4x200x64xf32, #tpu.memory_space<vmem>>, vector<1x1x16xf32>,
        %get3A_563 = vector.shape_cast %get3A_562 : vector<1x1x16xf32> to vector<16xf32>
        %add3A_564 = arith.addf %add3A_528, %get3A_563 : vector<16xf32>
        %add3A_565 = arith.constant 5 : i32
        %add3A_566 = arith.addi %mul3A_367, %add3A_565 : i32
        %get3A_567 = arith.constant 0 : i32
        %get3A_568 = arith.index_cast %get3A_567 : i32 to index
        %get3A_569 = arith.index_cast %add3A_566 : i32 to index
        %get3A_570 = arith.constant 32 : index
        %get3A_571 = tpu.vector_load %arg6[%get3A_568, %get3A_569, %get3A_570] {strides = array<i32>} : memref<4x200x64xf32, #tpu.memory_space<vmem>>, vector<1x1x16xf32>,
        %get3A_572 = vector.shape_cast %get3A_571 : vector<1x1x16xf32> to vector<16xf32>
        %add3A_573 = arith.addf %add3A_537, %get3A_572 : vector<16xf32>
        %add3A_574 = arith.constant 5 : i32
        %add3A_575 = arith.addi %mul3A_367, %add3A_574 : i32
        %get3A_576 = arith.constant 0 : i32
        %get3A_577 = arith.index_cast %get3A_576 : i32 to index
        %get3A_578 = arith.index_cast %add3A_575 : i32 to index
        %get3A_579 = arith.constant 48 : index
        %get3A_580 = tpu.vector_load %arg6[%get3A_577, %get3A_578, %get3A_579] {strides = array<i32>} : memref<4x200x64xf32, #tpu.memory_space<vmem>>, vector<1x1x16xf32>,
        %get3A_581 = vector.shape_cast %get3A_580 : vector<1x1x16xf32> to vector<16xf32>
        %add3A_582 = arith.addf %add3A_546, %get3A_581 : vector<16xf32>
        %add3A_583 = arith.constant 6 : i32
        %add3A_584 = arith.addi %mul3A_367, %add3A_583 : i32
        %get3A_585 = arith.constant 0 : i32
        %get3A_586 = arith.index_cast %get3A_585 : i32 to index
        %get3A_587 = arith.index_cast %add3A_584 : i32 to index
        %get3A_588 = arith.constant 0 : index
        %get3A_589 = tpu.vector_load %arg6[%get3A_586, %get3A_587, %get3A_588] {strides = array<i32>} : memref<4x200x64xf32, #tpu.memory_space<vmem>>, vector<1x1x16xf32>,
        %get3A_590 = vector.shape_cast %get3A_589 : vector<1x1x16xf32> to vector<16xf32>
        %add3A_591 = arith.addf %add3A_555, %get3A_590 : vector<16xf32>
        %add3A_592 = arith.constant 6 : i32
        %add3A_593 = arith.addi %mul3A_367, %add3A_592 : i32
        %get3A_594 = arith.constant 0 : i32
        %get3A_595 = arith.index_cast %get3A_594 : i32 to index
        %get3A_596 = arith.index_cast %add3A_593 : i32 to index
        %get3A_597 = arith.constant 16 : index
        %get3A_598 = tpu.vector_load %arg6[%get3A_595, %get3A_596, %get3A_597] {strides = array<i32>} : memref<4x200x64xf32, #tpu.memory_space<vmem>>, vector<1x1x16xf32>,
        %get3A_599 = vector.shape_cast %get3A_598 : vector<1x1x16xf32> to vector<16xf32>
        %add3A_600 = arith.addf %add3A_564, %get3A_599 : vector<16xf32>
        %add3A_601 = arith.constant 6 : i32
        %add3A_602 = arith.addi %mul3A_367, %add3A_601 : i32
        %get3A_603 = arith.constant 0 : i32
        %get3A_604 = arith.index_cast %get3A_603 : i32 to index
        %get3A_605 = arith.index_cast %add3A_602 : i32 to index
        %get3A_606 = arith.constant 32 : index
        %get3A_607 = tpu.vector_load %arg6[%get3A_604, %get3A_605, %get3A_606] {strides = array<i32>} : memref<4x200x64xf32, #tpu.memory_space<vmem>>, vector<1x1x16xf32>,
        %get3A_608 = vector.shape_cast %get3A_607 : vector<1x1x16xf32> to vector<16xf32>
        %add3A_609 = arith.addf %add3A_573, %get3A_608 : vector<16xf32>
        %add3A_610 = arith.constant 6 : i32
        %add3A_611 = arith.addi %mul3A_367, %add3A_610 : i32
        %get3A_612 = arith.constant 0 : i32
        %get3A_613 = arith.index_cast %get3A_612 : i32 to index
        %get3A_614 = arith.index_cast %add3A_611 : i32 to index
        %get3A_615 = arith.constant 48 : index
        %get3A_616 = tpu.vector_load %arg6[%get3A_613, %get3A_614, %get3A_615] {strides = array<i32>} : memref<4x200x64xf32, #tpu.memory_space<vmem>>, vector<1x1x16xf32>,
        %get3A_617 = vector.shape_cast %get3A_616 : vector<1x1x16xf32> to vector<16xf32>
        %add3A_618 = arith.addf %add3A_582, %get3A_617 : vector<16xf32>
        %add3A_619 = arith.constant 7 : i32
        %add3A_620 = arith.addi %mul3A_367, %add3A_619 : i32
        %get3A_621 = arith.constant 0 : i32
        %get3A_622 = arith.index_cast %get3A_621 : i32 to index
        %get3A_623 = arith.index_cast %add3A_620 : i32 to index
        %get3A_624 = arith.constant 0 : index
        %get3A_625 = tpu.vector_load %arg6[%get3A_622, %get3A_623, %get3A_624] {strides = array<i32>} : memref<4x200x64xf32, #tpu.memory_space<vmem>>, vector<1x1x16xf32>,
        %get3A_626 = vector.shape_cast %get3A_625 : vector<1x1x16xf32> to vector<16xf32>
        %add3A_627 = arith.addf %add3A_591, %get3A_626 : vector<16xf32>
        %add3A_628 = arith.constant 7 : i32
        %add3A_629 = arith.addi %mul3A_367, %add3A_628 : i32
        %get3A_630 = arith.constant 0 : i32
        %get3A_631 = arith.index_cast %get3A_630 : i32 to index
        %get3A_632 = arith.index_cast %add3A_629 : i32 to index
        %get3A_633 = arith.constant 16 : index
        %get3A_634 = tpu.vector_load %arg6[%get3A_631, %get3A_632, %get3A_633] {strides = array<i32>} : memref<4x200x64xf32, #tpu.memory_space<vmem>>, vector<1x1x16xf32>,
        %get3A_635 = vector.shape_cast %get3A_634 : vector<1x1x16xf32> to vector<16xf32>
        %add3A_636 = arith.addf %add3A_600, %get3A_635 : vector<16xf32>
        %add3A_637 = arith.constant 7 : i32
        %add3A_638 = arith.addi %mul3A_367, %add3A_637 : i32
        %get3A_639 = arith.constant 0 : i32
        %get3A_640 = arith.index_cast %get3A_639 : i32 to index
        %get3A_641 = arith.index_cast %add3A_638 : i32 to index
        %get3A_642 = arith.constant 32 : index
        %get3A_643 = tpu.vector_load %arg6[%get3A_640, %get3A_641, %get3A_642] {strides = array<i32>} : memref<4x200x64xf32, #tpu.memory_space<vmem>>, vector<1x1x16xf32>,
        %get3A_644 = vector.shape_cast %get3A_643 : vector<1x1x16xf32> to vector<16xf32>
        %add3A_645 = arith.addf %add3A_609, %get3A_644 : vector<16xf32>
        %add3A_646 = arith.constant 7 : i32
        %add3A_647 = arith.addi %mul3A_367, %add3A_646 : i32
        %get3A_648 = arith.constant 0 : i32
        %get3A_649 = arith.index_cast %get3A_648 : i32 to index
        %get3A_650 = arith.index_cast %add3A_647 : i32 to index
        %get3A_651 = arith.constant 48 : index
        %get3A_652 = tpu.vector_load %arg6[%get3A_649, %get3A_650, %get3A_651] {strides = array<i32>} : memref<4x200x64xf32, #tpu.memory_space<vmem>>, vector<1x1x16xf32>,
        %get3A_653 = vector.shape_cast %get3A_652 : vector<1x1x16xf32> to vector<16xf32>
        %add3A_654 = arith.addf %add3A_618, %get3A_653 : vector<16xf32>
        scf.yield %add3A_627, %add3A_636, %add3A_645, %add3A_654 : vector<16xf32>, vector<16xf32>, vector<16xf32>, vector<16xf32>
      }
      %scan3A_122 = arith.constant 25 : i32
      %mul3A_123 = vector.broadcast %scan3A_82 : f32 to vector<16xf32>
      %mul3A_124 = arith.mulf %scan3A_121#0, %mul3A_123 : vector<16xf32>
      %swap3A = arith.index_cast %add3A_94 : i32 to index
      %swap3A_125 = arith.constant 0 : index
      %swap3A_126 = tpu.vector_load %arg7[%swap3A, %swap3A_125] {strides = array<i32>} : memref<128x64xf32, #tpu.memory_space<vmem>>, vector<1x16xf32>,
      %swap3A_127 = vector.shape_cast %swap3A_126 : vector<1x16xf32> to vector<16xf32>
      %swap3A_128 = vector.shape_cast %mul3A_124 : vector<16xf32> to vector<1x16xf32>
      tpu.vector_store %arg7[%swap3A, %swap3A_125], %swap3A_128 {strides = array<i32>} : memref<128x64xf32, #tpu.memory_space<vmem>>, vector<1x16xf32>,
      %mul3A_129 = vector.broadcast %scan3A_82 : f32 to vector<16xf32>
      %mul3A_130 = arith.mulf %scan3A_121#1, %mul3A_129 : vector<16xf32>
      %swap3A_131 = arith.index_cast %add3A_94 : i32 to index
      %swap3A_132 = arith.constant 16 : index
      %swap3A_133 = tpu.vector_load %arg7[%swap3A_131, %swap3A_132] {strides = array<i32>} : memref<128x64xf32, #tpu.memory_space<vmem>>, vector<1x16xf32>,
      %swap3A_134 = vector.shape_cast %swap3A_133 : vector<1x16xf32> to vector<16xf32>
      %swap3A_135 = vector.shape_cast %mul3A_130 : vector<16xf32> to vector<1x16xf32>
      tpu.vector_store %arg7[%swap3A_131, %swap3A_132], %swap3A_135 {strides = array<i32>} : memref<128x64xf32, #tpu.memory_space<vmem>>, vector<1x16xf32>,
      %mul3A_136 = vector.broadcast %scan3A_82 : f32 to vector<16xf32>
      %mul3A_137 = arith.mulf %scan3A_121#2, %mul3A_136 : vector<16xf32>
      %swap3A_138 = arith.index_cast %add3A_94 : i32 to index
      %swap3A_139 = arith.constant 32 : index
      %swap3A_140 = tpu.vector_load %arg7[%swap3A_138, %swap3A_139] {strides = array<i32>} : memref<128x64xf32, #tpu.memory_space<vmem>>, vector<1x16xf32>,
      %swap3A_141 = vector.shape_cast %swap3A_140 : vector<1x16xf32> to vector<16xf32>
      %swap3A_142 = vector.shape_cast %mul3A_137 : vector<16xf32> to vector<1x16xf32>
      tpu.vector_store %arg7[%swap3A_138, %swap3A_139], %swap3A_142 {strides = array<i32>} : memref<128x64xf32, #tpu.memory_space<vmem>>, vector<1x16xf32>,
      %mul3A_143 = vector.broadcast %scan3A_82 : f32 to vector<16xf32>
      %mul3A_144 = arith.mulf %scan3A_121#3, %mul3A_143 : vector<16xf32>
      %swap3A_145 = arith.index_cast %add3A_94 : i32 to index
      %swap3A_146 = arith.constant 48 : index
      %swap3A_147 = tpu.vector_load %arg7[%swap3A_145, %swap3A_146] {strides = array<i32>} : memref<128x64xf32, #tpu.memory_space<vmem>>, vector<1x16xf32>,
      %swap3A_148 = vector.shape_cast %swap3A_147 : vector<1x16xf32> to vector<16xf32>
      %swap3A_149 = vector.shape_cast %mul3A_144 : vector<16xf32> to vector<1x16xf32>
      tpu.vector_store %arg7[%swap3A_145, %swap3A_146], %swap3A_149 {strides = array<i32>} : memref<128x64xf32, #tpu.memory_space<vmem>>, vector<1x16xf32>,
      %add3A_150 = arith.constant 4 : i32
      %add3A_151 = arith.addi %add3A_94, %add3A_150 : i32
      %lt3A = arith.constant 128 : i32
      %lt3A_152 = arith.cmpi slt, %add3A_151, %lt3A : i32
      %convert_element_type3A = arith.extui %lt3A_152 : i1 to i32
      %cond3A = arith.constant 0 : i32
      %cond3A_153 = arith.cmpi ne, %convert_element_type3A, %cond3A : i32
      scf.if %cond3A_153 {
        %add3A_361 = arith.constant 4 : i32
        %add3A_362 = arith.addi %add3A_94, %add3A_361 : i32
        %mul3A_363 = arith.constant 256 : i32
        %mul3A_364 = arith.muli %add3A_362, %mul3A_363 : i32
        %add3A_365 = arith.constant 104 : i32
        %add3A_366 = arith.addi %mul3A_364, %add3A_365 : i32
        %dma_start3A_367 = arith.constant 0 : i32
        %dma_start3A_368 = arith.constant 0 : i32
        %dma_start3A_369 = arith.constant 0 : i32
        %dma_start3A_370 = tpu.memref_slice %arg6[%dma_start3A_367, %dma_start3A_368, %dma_start3A_369] : memref<4x200x64xf32, #tpu.memory_space<vmem>> -> memref<1x104x64xf32, #tpu.memory_space<vmem>>
        %dma_start3A_371 = tpu.memref_squeeze %dma_start3A_370 : memref<1x104x64xf32, #tpu.memory_space<vmem>> -> memref<104x64xf32, #tpu.memory_space<vmem>>
        %dma_start3A_372 = tpu.memref_slice %arg5[%mul3A_364] : memref<32768xi32, #tpu.memory_space<vmem>> -> memref<104xi32, #tpu.memory_space<vmem>>
        %dma_start3A_373 = arith.constant 0 : i32
        %dma_start3A_374 = arith.constant 0 : i32
        %dma_start3A_375 = tpu.memref_slice %arg3[%dma_start3A_373, %dma_start3A_374] : memref<100000x64xf32, #tpu.memory_space<hbm>> -> memref<100000x64xf32, #tpu.memory_space<hbm>>
        tpu.enqueue_indirect_dma source(%dma_start3A_375 : memref<100000x64xf32, #tpu.memory_space<hbm>>) target(%dma_start3A_371 : memref<104x64xf32, #tpu.memory_space<vmem>>) offsets(%dma_start3A_372 : memref<104xi32, #tpu.memory_space<vmem>>) semaphore(%arg8 : memref<!tpu.dma_semaphore, #tpu.memory_space<semaphore_mem>>)
        %dma_start3A_376 = arith.constant 0 : i32
        %dma_start3A_377 = arith.constant 104 : i32
        %dma_start3A_378 = arith.constant 0 : i32
        %dma_start3A_379 = tpu.memref_slice %arg6[%dma_start3A_376, %dma_start3A_377, %dma_start3A_378] : memref<4x200x64xf32, #tpu.memory_space<vmem>> -> memref<1x96x64xf32, #tpu.memory_space<vmem>>
        %dma_start3A_380 = tpu.memref_squeeze %dma_start3A_379 : memref<1x96x64xf32, #tpu.memory_space<vmem>> -> memref<96x64xf32, #tpu.memory_space<vmem>>
        %dma_start3A_381 = tpu.memref_slice %arg5[%add3A_366] : memref<32768xi32, #tpu.memory_space<vmem>> -> memref<96xi32, #tpu.memory_space<vmem>>
        %dma_start3A_382 = arith.constant 0 : i32
        %dma_start3A_383 = arith.constant 0 : i32
        %dma_start3A_384 = tpu.memref_slice %arg3[%dma_start3A_382, %dma_start3A_383] : memref<100000x64xf32, #tpu.memory_space<hbm>> -> memref<100000x64xf32, #tpu.memory_space<hbm>>
        tpu.enqueue_indirect_dma source(%dma_start3A_384 : memref<100000x64xf32, #tpu.memory_space<hbm>>) target(%dma_start3A_380 : memref<96x64xf32, #tpu.memory_space<vmem>>) offsets(%dma_start3A_381 : memref<96xi32, #tpu.memory_space<vmem>>) semaphore(%arg8 : memref<!tpu.dma_semaphore, #tpu.memory_space<semaphore_mem>>)
      } else {
      }
      %mul3A_154 = arith.constant 4 : i32
      %mul3A_155 = arith.muli %scan3A_90, %mul3A_154 : i32
      %add3A_156 = arith.constant 1 : i32
      %add3A_157 = arith.addi %mul3A_155, %add3A_156 : i32
      %mul3A_158 = arith.constant 256 : i32
      %mul3A_159 = arith.muli %add3A_157, %mul3A_158 : i32
      %add3A_160 = arith.constant 104 : i32
      %add3A_161 = arith.addi %mul3A_159, %add3A_160 : i32
      %dma_wait3A_162 = arith.constant 1 : i32
      %dma_wait3A_163 = arith.constant 0 : i32
      %dma_wait3A_164 = arith.constant 0 : i32
      %dma_wait3A_165 = tpu.memref_slice %arg6[%dma_wait3A_162, %dma_wait3A_163, %dma_wait3A_164] : memref<4x200x64xf32, #tpu.memory_space<vmem>> -> memref<1x104x64xf32, #tpu.memory_space<vmem>>
      %dma_wait3A_166 = tpu.memref_squeeze %dma_wait3A_165 : memref<1x104x64xf32, #tpu.memory_space<vmem>> -> memref<104x64xf32, #tpu.memory_space<vmem>>
      %dma_wait3A_167 = tpu.memref_slice %arg5[%mul3A_159] : memref<32768xi32, #tpu.memory_space<vmem>> -> memref<104xi32, #tpu.memory_space<vmem>>
      %dma_wait3A_168 = arith.constant 0 : i32
      %dma_wait3A_169 = arith.constant 0 : i32
      %dma_wait3A_170 = tpu.memref_slice %arg3[%dma_wait3A_168, %dma_wait3A_169] : memref<100000x64xf32, #tpu.memory_space<hbm>> -> memref<100000x64xf32, #tpu.memory_space<hbm>>
      tpu.wait_indirect_dma semaphore(%arg8 : memref<!tpu.dma_semaphore, #tpu.memory_space<semaphore_mem>>) src(%dma_wait3A_170 : memref<100000x64xf32, #tpu.memory_space<hbm>>) dst(%dma_wait3A_166 : memref<104x64xf32, #tpu.memory_space<vmem>>)
      %dma_wait3A_171 = arith.constant 1 : i32
      %dma_wait3A_172 = arith.constant 104 : i32
      %dma_wait3A_173 = arith.constant 0 : i32
      %dma_wait3A_174 = tpu.memref_slice %arg6[%dma_wait3A_171, %dma_wait3A_172, %dma_wait3A_173] : memref<4x200x64xf32, #tpu.memory_space<vmem>> -> memref<1x96x64xf32, #tpu.memory_space<vmem>>
      %dma_wait3A_175 = tpu.memref_squeeze %dma_wait3A_174 : memref<1x96x64xf32, #tpu.memory_space<vmem>> -> memref<96x64xf32, #tpu.memory_space<vmem>>
      %dma_wait3A_176 = tpu.memref_slice %arg5[%add3A_161] : memref<32768xi32, #tpu.memory_space<vmem>> -> memref<96xi32, #tpu.memory_space<vmem>>
      %dma_wait3A_177 = arith.constant 0 : i32
      %dma_wait3A_178 = arith.constant 0 : i32
      %dma_wait3A_179 = tpu.memref_slice %arg3[%dma_wait3A_177, %dma_wait3A_178] : memref<100000x64xf32, #tpu.memory_space<hbm>> -> memref<100000x64xf32, #tpu.memory_space<hbm>>
      tpu.wait_indirect_dma semaphore(%arg8 : memref<!tpu.dma_semaphore, #tpu.memory_space<semaphore_mem>>) src(%dma_wait3A_179 : memref<100000x64xf32, #tpu.memory_space<hbm>>) dst(%dma_wait3A_175 : memref<96x64xf32, #tpu.memory_space<vmem>>)
      %broadcast_in_dim3A_180 = arith.constant 0.000000e+00 : f32
      %broadcast_in_dim3A_181 = vector.broadcast %broadcast_in_dim3A_180 : f32 to vector<16xf32>
      %scan3A_182 = arith.constant 0 : i32
      %scan3A_183 = arith.constant 25 : i32
      %scan3A_184 = arith.addi %scan3A_182, %scan3A_183 : i32
      %scan3A_185 = arith.constant 1 : i32
      %scan3A_186:4 = scf.for %scan3A_361 = %scan3A_182 to %scan3A_184 step %scan3A_185 iter_args(%scan3A_362 = %broadcast_in_dim3A_181, %scan3A_363 = %broadcast_in_dim3A_181, %scan3A_364 = %broadcast_in_dim3A_181, %scan3A_365 = %broadcast_in_dim3A_181) -> (vector<16xf32>, vector<16xf32>, vector<16xf32>, vector<16xf32>)  : i32 {
        %mul3A_366 = arith.constant 8 : i32
        %mul3A_367 = arith.muli %scan3A_361, %mul3A_366 : i32
        %add3A_368 = arith.constant 0 : i32
        %add3A_369 = arith.addi %mul3A_367, %add3A_368 : i32
        %get3A = arith.constant 1 : i32
        %get3A_370 = arith.index_cast %get3A : i32 to index
        %get3A_371 = arith.index_cast %add3A_369 : i32 to index
        %get3A_372 = arith.constant 0 : index
        %get3A_373 = tpu.vector_load %arg6[%get3A_370, %get3A_371, %get3A_372] {strides = array<i32>} : memref<4x200x64xf32, #tpu.memory_space<vmem>>, vector<1x1x16xf32>,
        %get3A_374 = vector.shape_cast %get3A_373 : vector<1x1x16xf32> to vector<16xf32>
        %add3A_375 = arith.addf %scan3A_362, %get3A_374 : vector<16xf32>
        %add3A_376 = arith.constant 0 : i32
        %add3A_377 = arith.addi %mul3A_367, %add3A_376 : i32
        %get3A_378 = arith.constant 1 : i32
        %get3A_379 = arith.index_cast %get3A_378 : i32 to index
        %get3A_380 = arith.index_cast %add3A_377 : i32 to index
        %get3A_381 = arith.constant 16 : index
        %get3A_382 = tpu.vector_load %arg6[%get3A_379, %get3A_380, %get3A_381] {strides = array<i32>} : memref<4x200x64xf32, #tpu.memory_space<vmem>>, vector<1x1x16xf32>,
        %get3A_383 = vector.shape_cast %get3A_382 : vector<1x1x16xf32> to vector<16xf32>
        %add3A_384 = arith.addf %scan3A_363, %get3A_383 : vector<16xf32>
        %add3A_385 = arith.constant 0 : i32
        %add3A_386 = arith.addi %mul3A_367, %add3A_385 : i32
        %get3A_387 = arith.constant 1 : i32
        %get3A_388 = arith.index_cast %get3A_387 : i32 to index
        %get3A_389 = arith.index_cast %add3A_386 : i32 to index
        %get3A_390 = arith.constant 32 : index
        %get3A_391 = tpu.vector_load %arg6[%get3A_388, %get3A_389, %get3A_390] {strides = array<i32>} : memref<4x200x64xf32, #tpu.memory_space<vmem>>, vector<1x1x16xf32>,
        %get3A_392 = vector.shape_cast %get3A_391 : vector<1x1x16xf32> to vector<16xf32>
        %add3A_393 = arith.addf %scan3A_364, %get3A_392 : vector<16xf32>
        %add3A_394 = arith.constant 0 : i32
        %add3A_395 = arith.addi %mul3A_367, %add3A_394 : i32
        %get3A_396 = arith.constant 1 : i32
        %get3A_397 = arith.index_cast %get3A_396 : i32 to index
        %get3A_398 = arith.index_cast %add3A_395 : i32 to index
        %get3A_399 = arith.constant 48 : index
        %get3A_400 = tpu.vector_load %arg6[%get3A_397, %get3A_398, %get3A_399] {strides = array<i32>} : memref<4x200x64xf32, #tpu.memory_space<vmem>>, vector<1x1x16xf32>,
        %get3A_401 = vector.shape_cast %get3A_400 : vector<1x1x16xf32> to vector<16xf32>
        %add3A_402 = arith.addf %scan3A_365, %get3A_401 : vector<16xf32>
        %add3A_403 = arith.constant 1 : i32
        %add3A_404 = arith.addi %mul3A_367, %add3A_403 : i32
        %get3A_405 = arith.constant 1 : i32
        %get3A_406 = arith.index_cast %get3A_405 : i32 to index
        %get3A_407 = arith.index_cast %add3A_404 : i32 to index
        %get3A_408 = arith.constant 0 : index
        %get3A_409 = tpu.vector_load %arg6[%get3A_406, %get3A_407, %get3A_408] {strides = array<i32>} : memref<4x200x64xf32, #tpu.memory_space<vmem>>, vector<1x1x16xf32>,
        %get3A_410 = vector.shape_cast %get3A_409 : vector<1x1x16xf32> to vector<16xf32>
        %add3A_411 = arith.addf %add3A_375, %get3A_410 : vector<16xf32>
        %add3A_412 = arith.constant 1 : i32
        %add3A_413 = arith.addi %mul3A_367, %add3A_412 : i32
        %get3A_414 = arith.constant 1 : i32
        %get3A_415 = arith.index_cast %get3A_414 : i32 to index
        %get3A_416 = arith.index_cast %add3A_413 : i32 to index
        %get3A_417 = arith.constant 16 : index
        %get3A_418 = tpu.vector_load %arg6[%get3A_415, %get3A_416, %get3A_417] {strides = array<i32>} : memref<4x200x64xf32, #tpu.memory_space<vmem>>, vector<1x1x16xf32>,
        %get3A_419 = vector.shape_cast %get3A_418 : vector<1x1x16xf32> to vector<16xf32>
        %add3A_420 = arith.addf %add3A_384, %get3A_419 : vector<16xf32>
        %add3A_421 = arith.constant 1 : i32
        %add3A_422 = arith.addi %mul3A_367, %add3A_421 : i32
        %get3A_423 = arith.constant 1 : i32
        %get3A_424 = arith.index_cast %get3A_423 : i32 to index
        %get3A_425 = arith.index_cast %add3A_422 : i32 to index
        %get3A_426 = arith.constant 32 : index
        %get3A_427 = tpu.vector_load %arg6[%get3A_424, %get3A_425, %get3A_426] {strides = array<i32>} : memref<4x200x64xf32, #tpu.memory_space<vmem>>, vector<1x1x16xf32>,
        %get3A_428 = vector.shape_cast %get3A_427 : vector<1x1x16xf32> to vector<16xf32>
        %add3A_429 = arith.addf %add3A_393, %get3A_428 : vector<16xf32>
        %add3A_430 = arith.constant 1 : i32
        %add3A_431 = arith.addi %mul3A_367, %add3A_430 : i32
        %get3A_432 = arith.constant 1 : i32
        %get3A_433 = arith.index_cast %get3A_432 : i32 to index
        %get3A_434 = arith.index_cast %add3A_431 : i32 to index
        %get3A_435 = arith.constant 48 : index
        %get3A_436 = tpu.vector_load %arg6[%get3A_433, %get3A_434, %get3A_435] {strides = array<i32>} : memref<4x200x64xf32, #tpu.memory_space<vmem>>, vector<1x1x16xf32>,
        %get3A_437 = vector.shape_cast %get3A_436 : vector<1x1x16xf32> to vector<16xf32>
        %add3A_438 = arith.addf %add3A_402, %get3A_437 : vector<16xf32>
        %add3A_439 = arith.constant 2 : i32
        %add3A_440 = arith.addi %mul3A_367, %add3A_439 : i32
        %get3A_441 = arith.constant 1 : i32
        %get3A_442 = arith.index_cast %get3A_441 : i32 to index
        %get3A_443 = arith.index_cast %add3A_440 : i32 to index
        %get3A_444 = arith.constant 0 : index
        %get3A_445 = tpu.vector_load %arg6[%get3A_442, %get3A_443, %get3A_444] {strides = array<i32>} : memref<4x200x64xf32, #tpu.memory_space<vmem>>, vector<1x1x16xf32>,
        %get3A_446 = vector.shape_cast %get3A_445 : vector<1x1x16xf32> to vector<16xf32>
        %add3A_447 = arith.addf %add3A_411, %get3A_446 : vector<16xf32>
        %add3A_448 = arith.constant 2 : i32
        %add3A_449 = arith.addi %mul3A_367, %add3A_448 : i32
        %get3A_450 = arith.constant 1 : i32
        %get3A_451 = arith.index_cast %get3A_450 : i32 to index
        %get3A_452 = arith.index_cast %add3A_449 : i32 to index
        %get3A_453 = arith.constant 16 : index
        %get3A_454 = tpu.vector_load %arg6[%get3A_451, %get3A_452, %get3A_453] {strides = array<i32>} : memref<4x200x64xf32, #tpu.memory_space<vmem>>, vector<1x1x16xf32>,
        %get3A_455 = vector.shape_cast %get3A_454 : vector<1x1x16xf32> to vector<16xf32>
        %add3A_456 = arith.addf %add3A_420, %get3A_455 : vector<16xf32>
        %add3A_457 = arith.constant 2 : i32
        %add3A_458 = arith.addi %mul3A_367, %add3A_457 : i32
        %get3A_459 = arith.constant 1 : i32
        %get3A_460 = arith.index_cast %get3A_459 : i32 to index
        %get3A_461 = arith.index_cast %add3A_458 : i32 to index
        %get3A_462 = arith.constant 32 : index
        %get3A_463 = tpu.vector_load %arg6[%get3A_460, %get3A_461, %get3A_462] {strides = array<i32>} : memref<4x200x64xf32, #tpu.memory_space<vmem>>, vector<1x1x16xf32>,
        %get3A_464 = vector.shape_cast %get3A_463 : vector<1x1x16xf32> to vector<16xf32>
        %add3A_465 = arith.addf %add3A_429, %get3A_464 : vector<16xf32>
        %add3A_466 = arith.constant 2 : i32
        %add3A_467 = arith.addi %mul3A_367, %add3A_466 : i32
        %get3A_468 = arith.constant 1 : i32
        %get3A_469 = arith.index_cast %get3A_468 : i32 to index
        %get3A_470 = arith.index_cast %add3A_467 : i32 to index
        %get3A_471 = arith.constant 48 : index
        %get3A_472 = tpu.vector_load %arg6[%get3A_469, %get3A_470, %get3A_471] {strides = array<i32>} : memref<4x200x64xf32, #tpu.memory_space<vmem>>, vector<1x1x16xf32>,
        %get3A_473 = vector.shape_cast %get3A_472 : vector<1x1x16xf32> to vector<16xf32>
        %add3A_474 = arith.addf %add3A_438, %get3A_473 : vector<16xf32>
        %add3A_475 = arith.constant 3 : i32
        %add3A_476 = arith.addi %mul3A_367, %add3A_475 : i32
        %get3A_477 = arith.constant 1 : i32
        %get3A_478 = arith.index_cast %get3A_477 : i32 to index
        %get3A_479 = arith.index_cast %add3A_476 : i32 to index
        %get3A_480 = arith.constant 0 : index
        %get3A_481 = tpu.vector_load %arg6[%get3A_478, %get3A_479, %get3A_480] {strides = array<i32>} : memref<4x200x64xf32, #tpu.memory_space<vmem>>, vector<1x1x16xf32>,
        %get3A_482 = vector.shape_cast %get3A_481 : vector<1x1x16xf32> to vector<16xf32>
        %add3A_483 = arith.addf %add3A_447, %get3A_482 : vector<16xf32>
        %add3A_484 = arith.constant 3 : i32
        %add3A_485 = arith.addi %mul3A_367, %add3A_484 : i32
        %get3A_486 = arith.constant 1 : i32
        %get3A_487 = arith.index_cast %get3A_486 : i32 to index
        %get3A_488 = arith.index_cast %add3A_485 : i32 to index
        %get3A_489 = arith.constant 16 : index
        %get3A_490 = tpu.vector_load %arg6[%get3A_487, %get3A_488, %get3A_489] {strides = array<i32>} : memref<4x200x64xf32, #tpu.memory_space<vmem>>, vector<1x1x16xf32>,
        %get3A_491 = vector.shape_cast %get3A_490 : vector<1x1x16xf32> to vector<16xf32>
        %add3A_492 = arith.addf %add3A_456, %get3A_491 : vector<16xf32>
        %add3A_493 = arith.constant 3 : i32
        %add3A_494 = arith.addi %mul3A_367, %add3A_493 : i32
        %get3A_495 = arith.constant 1 : i32
        %get3A_496 = arith.index_cast %get3A_495 : i32 to index
        %get3A_497 = arith.index_cast %add3A_494 : i32 to index
        %get3A_498 = arith.constant 32 : index
        %get3A_499 = tpu.vector_load %arg6[%get3A_496, %get3A_497, %get3A_498] {strides = array<i32>} : memref<4x200x64xf32, #tpu.memory_space<vmem>>, vector<1x1x16xf32>,
        %get3A_500 = vector.shape_cast %get3A_499 : vector<1x1x16xf32> to vector<16xf32>
        %add3A_501 = arith.addf %add3A_465, %get3A_500 : vector<16xf32>
        %add3A_502 = arith.constant 3 : i32
        %add3A_503 = arith.addi %mul3A_367, %add3A_502 : i32
        %get3A_504 = arith.constant 1 : i32
        %get3A_505 = arith.index_cast %get3A_504 : i32 to index
        %get3A_506 = arith.index_cast %add3A_503 : i32 to index
        %get3A_507 = arith.constant 48 : index
        %get3A_508 = tpu.vector_load %arg6[%get3A_505, %get3A_506, %get3A_507] {strides = array<i32>} : memref<4x200x64xf32, #tpu.memory_space<vmem>>, vector<1x1x16xf32>,
        %get3A_509 = vector.shape_cast %get3A_508 : vector<1x1x16xf32> to vector<16xf32>
        %add3A_510 = arith.addf %add3A_474, %get3A_509 : vector<16xf32>
        %add3A_511 = arith.constant 4 : i32
        %add3A_512 = arith.addi %mul3A_367, %add3A_511 : i32
        %get3A_513 = arith.constant 1 : i32
        %get3A_514 = arith.index_cast %get3A_513 : i32 to index
        %get3A_515 = arith.index_cast %add3A_512 : i32 to index
        %get3A_516 = arith.constant 0 : index
        %get3A_517 = tpu.vector_load %arg6[%get3A_514, %get3A_515, %get3A_516] {strides = array<i32>} : memref<4x200x64xf32, #tpu.memory_space<vmem>>, vector<1x1x16xf32>,
        %get3A_518 = vector.shape_cast %get3A_517 : vector<1x1x16xf32> to vector<16xf32>
        %add3A_519 = arith.addf %add3A_483, %get3A_518 : vector<16xf32>
        %add3A_520 = arith.constant 4 : i32
        %add3A_521 = arith.addi %mul3A_367, %add3A_520 : i32
        %get3A_522 = arith.constant 1 : i32
        %get3A_523 = arith.index_cast %get3A_522 : i32 to index
        %get3A_524 = arith.index_cast %add3A_521 : i32 to index
        %get3A_525 = arith.constant 16 : index
        %get3A_526 = tpu.vector_load %arg6[%get3A_523, %get3A_524, %get3A_525] {strides = array<i32>} : memref<4x200x64xf32, #tpu.memory_space<vmem>>, vector<1x1x16xf32>,
        %get3A_527 = vector.shape_cast %get3A_526 : vector<1x1x16xf32> to vector<16xf32>
        %add3A_528 = arith.addf %add3A_492, %get3A_527 : vector<16xf32>
        %add3A_529 = arith.constant 4 : i32
        %add3A_530 = arith.addi %mul3A_367, %add3A_529 : i32
        %get3A_531 = arith.constant 1 : i32
        %get3A_532 = arith.index_cast %get3A_531 : i32 to index
        %get3A_533 = arith.index_cast %add3A_530 : i32 to index
        %get3A_534 = arith.constant 32 : index
        %get3A_535 = tpu.vector_load %arg6[%get3A_532, %get3A_533, %get3A_534] {strides = array<i32>} : memref<4x200x64xf32, #tpu.memory_space<vmem>>, vector<1x1x16xf32>,
        %get3A_536 = vector.shape_cast %get3A_535 : vector<1x1x16xf32> to vector<16xf32>
        %add3A_537 = arith.addf %add3A_501, %get3A_536 : vector<16xf32>
        %add3A_538 = arith.constant 4 : i32
        %add3A_539 = arith.addi %mul3A_367, %add3A_538 : i32
        %get3A_540 = arith.constant 1 : i32
        %get3A_541 = arith.index_cast %get3A_540 : i32 to index
        %get3A_542 = arith.index_cast %add3A_539 : i32 to index
        %get3A_543 = arith.constant 48 : index
        %get3A_544 = tpu.vector_load %arg6[%get3A_541, %get3A_542, %get3A_543] {strides = array<i32>} : memref<4x200x64xf32, #tpu.memory_space<vmem>>, vector<1x1x16xf32>,
        %get3A_545 = vector.shape_cast %get3A_544 : vector<1x1x16xf32> to vector<16xf32>
        %add3A_546 = arith.addf %add3A_510, %get3A_545 : vector<16xf32>
        %add3A_547 = arith.constant 5 : i32
        %add3A_548 = arith.addi %mul3A_367, %add3A_547 : i32
        %get3A_549 = arith.constant 1 : i32
        %get3A_550 = arith.index_cast %get3A_549 : i32 to index
        %get3A_551 = arith.index_cast %add3A_548 : i32 to index
        %get3A_552 = arith.constant 0 : index
        %get3A_553 = tpu.vector_load %arg6[%get3A_550, %get3A_551, %get3A_552] {strides = array<i32>} : memref<4x200x64xf32, #tpu.memory_space<vmem>>, vector<1x1x16xf32>,
        %get3A_554 = vector.shape_cast %get3A_553 : vector<1x1x16xf32> to vector<16xf32>
        %add3A_555 = arith.addf %add3A_519, %get3A_554 : vector<16xf32>
        %add3A_556 = arith.constant 5 : i32
        %add3A_557 = arith.addi %mul3A_367, %add3A_556 : i32
        %get3A_558 = arith.constant 1 : i32
        %get3A_559 = arith.index_cast %get3A_558 : i32 to index
        %get3A_560 = arith.index_cast %add3A_557 : i32 to index
        %get3A_561 = arith.constant 16 : index
        %get3A_562 = tpu.vector_load %arg6[%get3A_559, %get3A_560, %get3A_561] {strides = array<i32>} : memref<4x200x64xf32, #tpu.memory_space<vmem>>, vector<1x1x16xf32>,
        %get3A_563 = vector.shape_cast %get3A_562 : vector<1x1x16xf32> to vector<16xf32>
        %add3A_564 = arith.addf %add3A_528, %get3A_563 : vector<16xf32>
        %add3A_565 = arith.constant 5 : i32
        %add3A_566 = arith.addi %mul3A_367, %add3A_565 : i32
        %get3A_567 = arith.constant 1 : i32
        %get3A_568 = arith.index_cast %get3A_567 : i32 to index
        %get3A_569 = arith.index_cast %add3A_566 : i32 to index
        %get3A_570 = arith.constant 32 : index
        %get3A_571 = tpu.vector_load %arg6[%get3A_568, %get3A_569, %get3A_570] {strides = array<i32>} : memref<4x200x64xf32, #tpu.memory_space<vmem>>, vector<1x1x16xf32>,
        %get3A_572 = vector.shape_cast %get3A_571 : vector<1x1x16xf32> to vector<16xf32>
        %add3A_573 = arith.addf %add3A_537, %get3A_572 : vector<16xf32>
        %add3A_574 = arith.constant 5 : i32
        %add3A_575 = arith.addi %mul3A_367, %add3A_574 : i32
        %get3A_576 = arith.constant 1 : i32
        %get3A_577 = arith.index_cast %get3A_576 : i32 to index
        %get3A_578 = arith.index_cast %add3A_575 : i32 to index
        %get3A_579 = arith.constant 48 : index
        %get3A_580 = tpu.vector_load %arg6[%get3A_577, %get3A_578, %get3A_579] {strides = array<i32>} : memref<4x200x64xf32, #tpu.memory_space<vmem>>, vector<1x1x16xf32>,
        %get3A_581 = vector.shape_cast %get3A_580 : vector<1x1x16xf32> to vector<16xf32>
        %add3A_582 = arith.addf %add3A_546, %get3A_581 : vector<16xf32>
        %add3A_583 = arith.constant 6 : i32
        %add3A_584 = arith.addi %mul3A_367, %add3A_583 : i32
        %get3A_585 = arith.constant 1 : i32
        %get3A_586 = arith.index_cast %get3A_585 : i32 to index
        %get3A_587 = arith.index_cast %add3A_584 : i32 to index
        %get3A_588 = arith.constant 0 : index
        %get3A_589 = tpu.vector_load %arg6[%get3A_586, %get3A_587, %get3A_588] {strides = array<i32>} : memref<4x200x64xf32, #tpu.memory_space<vmem>>, vector<1x1x16xf32>,
        %get3A_590 = vector.shape_cast %get3A_589 : vector<1x1x16xf32> to vector<16xf32>
        %add3A_591 = arith.addf %add3A_555, %get3A_590 : vector<16xf32>
        %add3A_592 = arith.constant 6 : i32
        %add3A_593 = arith.addi %mul3A_367, %add3A_592 : i32
        %get3A_594 = arith.constant 1 : i32
        %get3A_595 = arith.index_cast %get3A_594 : i32 to index
        %get3A_596 = arith.index_cast %add3A_593 : i32 to index
        %get3A_597 = arith.constant 16 : index
        %get3A_598 = tpu.vector_load %arg6[%get3A_595, %get3A_596, %get3A_597] {strides = array<i32>} : memref<4x200x64xf32, #tpu.memory_space<vmem>>, vector<1x1x16xf32>,
        %get3A_599 = vector.shape_cast %get3A_598 : vector<1x1x16xf32> to vector<16xf32>
        %add3A_600 = arith.addf %add3A_564, %get3A_599 : vector<16xf32>
        %add3A_601 = arith.constant 6 : i32
        %add3A_602 = arith.addi %mul3A_367, %add3A_601 : i32
        %get3A_603 = arith.constant 1 : i32
        %get3A_604 = arith.index_cast %get3A_603 : i32 to index
        %get3A_605 = arith.index_cast %add3A_602 : i32 to index
        %get3A_606 = arith.constant 32 : index
        %get3A_607 = tpu.vector_load %arg6[%get3A_604, %get3A_605, %get3A_606] {strides = array<i32>} : memref<4x200x64xf32, #tpu.memory_space<vmem>>, vector<1x1x16xf32>,
        %get3A_608 = vector.shape_cast %get3A_607 : vector<1x1x16xf32> to vector<16xf32>
        %add3A_609 = arith.addf %add3A_573, %get3A_608 : vector<16xf32>
        %add3A_610 = arith.constant 6 : i32
        %add3A_611 = arith.addi %mul3A_367, %add3A_610 : i32
        %get3A_612 = arith.constant 1 : i32
        %get3A_613 = arith.index_cast %get3A_612 : i32 to index
        %get3A_614 = arith.index_cast %add3A_611 : i32 to index
        %get3A_615 = arith.constant 48 : index
        %get3A_616 = tpu.vector_load %arg6[%get3A_613, %get3A_614, %get3A_615] {strides = array<i32>} : memref<4x200x64xf32, #tpu.memory_space<vmem>>, vector<1x1x16xf32>,
        %get3A_617 = vector.shape_cast %get3A_616 : vector<1x1x16xf32> to vector<16xf32>
        %add3A_618 = arith.addf %add3A_582, %get3A_617 : vector<16xf32>
        %add3A_619 = arith.constant 7 : i32
        %add3A_620 = arith.addi %mul3A_367, %add3A_619 : i32
        %get3A_621 = arith.constant 1 : i32
        %get3A_622 = arith.index_cast %get3A_621 : i32 to index
        %get3A_623 = arith.index_cast %add3A_620 : i32 to index
        %get3A_624 = arith.constant 0 : index
        %get3A_625 = tpu.vector_load %arg6[%get3A_622, %get3A_623, %get3A_624] {strides = array<i32>} : memref<4x200x64xf32, #tpu.memory_space<vmem>>, vector<1x1x16xf32>,
        %get3A_626 = vector.shape_cast %get3A_625 : vector<1x1x16xf32> to vector<16xf32>
        %add3A_627 = arith.addf %add3A_591, %get3A_626 : vector<16xf32>
        %add3A_628 = arith.constant 7 : i32
        %add3A_629 = arith.addi %mul3A_367, %add3A_628 : i32
        %get3A_630 = arith.constant 1 : i32
        %get3A_631 = arith.index_cast %get3A_630 : i32 to index
        %get3A_632 = arith.index_cast %add3A_629 : i32 to index
        %get3A_633 = arith.constant 16 : index
        %get3A_634 = tpu.vector_load %arg6[%get3A_631, %get3A_632, %get3A_633] {strides = array<i32>} : memref<4x200x64xf32, #tpu.memory_space<vmem>>, vector<1x1x16xf32>,
        %get3A_635 = vector.shape_cast %get3A_634 : vector<1x1x16xf32> to vector<16xf32>
        %add3A_636 = arith.addf %add3A_600, %get3A_635 : vector<16xf32>
        %add3A_637 = arith.constant 7 : i32
        %add3A_638 = arith.addi %mul3A_367, %add3A_637 : i32
        %get3A_639 = arith.constant 1 : i32
        %get3A_640 = arith.index_cast %get3A_639 : i32 to index
        %get3A_641 = arith.index_cast %add3A_638 : i32 to index
        %get3A_642 = arith.constant 32 : index
        %get3A_643 = tpu.vector_load %arg6[%get3A_640, %get3A_641, %get3A_642] {strides = array<i32>} : memref<4x200x64xf32, #tpu.memory_space<vmem>>, vector<1x1x16xf32>,
        %get3A_644 = vector.shape_cast %get3A_643 : vector<1x1x16xf32> to vector<16xf32>
        %add3A_645 = arith.addf %add3A_609, %get3A_644 : vector<16xf32>
        %add3A_646 = arith.constant 7 : i32
        %add3A_647 = arith.addi %mul3A_367, %add3A_646 : i32
        %get3A_648 = arith.constant 1 : i32
        %get3A_649 = arith.index_cast %get3A_648 : i32 to index
        %get3A_650 = arith.index_cast %add3A_647 : i32 to index
        %get3A_651 = arith.constant 48 : index
        %get3A_652 = tpu.vector_load %arg6[%get3A_649, %get3A_650, %get3A_651] {strides = array<i32>} : memref<4x200x64xf32, #tpu.memory_space<vmem>>, vector<1x1x16xf32>,
        %get3A_653 = vector.shape_cast %get3A_652 : vector<1x1x16xf32> to vector<16xf32>
        %add3A_654 = arith.addf %add3A_618, %get3A_653 : vector<16xf32>
        scf.yield %add3A_627, %add3A_636, %add3A_645, %add3A_654 : vector<16xf32>, vector<16xf32>, vector<16xf32>, vector<16xf32>
      }
      %scan3A_187 = arith.constant 25 : i32
      %mul3A_188 = vector.broadcast %scan3A_82 : f32 to vector<16xf32>
      %mul3A_189 = arith.mulf %scan3A_186#0, %mul3A_188 : vector<16xf32>
      %swap3A_190 = arith.index_cast %add3A_157 : i32 to index
      %swap3A_191 = arith.constant 0 : index
      %swap3A_192 = tpu.vector_load %arg7[%swap3A_190, %swap3A_191] {strides = array<i32>} : memref<128x64xf32, #tpu.memory_space<vmem>>, vector<1x16xf32>,
      %swap3A_193 = vector.shape_cast %swap3A_192 : vector<1x16xf32> to vector<16xf32>
      %swap3A_194 = vector.shape_cast %mul3A_189 : vector<16xf32> to vector<1x16xf32>
      tpu.vector_store %arg7[%swap3A_190, %swap3A_191], %swap3A_194 {strides = array<i32>} : memref<128x64xf32, #tpu.memory_space<vmem>>, vector<1x16xf32>,
      %mul3A_195 = vector.broadcast %scan3A_82 : f32 to vector<16xf32>
      %mul3A_196 = arith.mulf %scan3A_186#1, %mul3A_195 : vector<16xf32>
      %swap3A_197 = arith.index_cast %add3A_157 : i32 to index
      %swap3A_198 = arith.constant 16 : index
      %swap3A_199 = tpu.vector_load %arg7[%swap3A_197, %swap3A_198] {strides = array<i32>} : memref<128x64xf32, #tpu.memory_space<vmem>>, vector<1x16xf32>,
      %swap3A_200 = vector.shape_cast %swap3A_199 : vector<1x16xf32> to vector<16xf32>
      %swap3A_201 = vector.shape_cast %mul3A_196 : vector<16xf32> to vector<1x16xf32>
      tpu.vector_store %arg7[%swap3A_197, %swap3A_198], %swap3A_201 {strides = array<i32>} : memref<128x64xf32, #tpu.memory_space<vmem>>, vector<1x16xf32>,
      %mul3A_202 = vector.broadcast %scan3A_82 : f32 to vector<16xf32>
      %mul3A_203 = arith.mulf %scan3A_186#2, %mul3A_202 : vector<16xf32>
      %swap3A_204 = arith.index_cast %add3A_157 : i32 to index
      %swap3A_205 = arith.constant 32 : index
      %swap3A_206 = tpu.vector_load %arg7[%swap3A_204, %swap3A_205] {strides = array<i32>} : memref<128x64xf32, #tpu.memory_space<vmem>>, vector<1x16xf32>,
      %swap3A_207 = vector.shape_cast %swap3A_206 : vector<1x16xf32> to vector<16xf32>
      %swap3A_208 = vector.shape_cast %mul3A_203 : vector<16xf32> to vector<1x16xf32>
      tpu.vector_store %arg7[%swap3A_204, %swap3A_205], %swap3A_208 {strides = array<i32>} : memref<128x64xf32, #tpu.memory_space<vmem>>, vector<1x16xf32>,
      %mul3A_209 = vector.broadcast %scan3A_82 : f32 to vector<16xf32>
      %mul3A_210 = arith.mulf %scan3A_186#3, %mul3A_209 : vector<16xf32>
      %swap3A_211 = arith.index_cast %add3A_157 : i32 to index
      %swap3A_212 = arith.constant 48 : index
      %swap3A_213 = tpu.vector_load %arg7[%swap3A_211, %swap3A_212] {strides = array<i32>} : memref<128x64xf32, #tpu.memory_space<vmem>>, vector<1x16xf32>,
      %swap3A_214 = vector.shape_cast %swap3A_213 : vector<1x16xf32> to vector<16xf32>
      %swap3A_215 = vector.shape_cast %mul3A_210 : vector<16xf32> to vector<1x16xf32>
      tpu.vector_store %arg7[%swap3A_211, %swap3A_212], %swap3A_215 {strides = array<i32>} : memref<128x64xf32, #tpu.memory_space<vmem>>, vector<1x16xf32>,
      %add3A_216 = arith.constant 4 : i32
      %add3A_217 = arith.addi %add3A_157, %add3A_216 : i32
      %lt3A_218 = arith.constant 128 : i32
      %lt3A_219 = arith.cmpi slt, %add3A_217, %lt3A_218 : i32
      %convert_element_type3A_220 = arith.extui %lt3A_219 : i1 to i32
      %cond3A_221 = arith.constant 0 : i32
      %cond3A_222 = arith.cmpi ne, %convert_element_type3A_220, %cond3A_221 : i32
      scf.if %cond3A_222 {
        %add3A_361 = arith.constant 4 : i32
        %add3A_362 = arith.addi %add3A_157, %add3A_361 : i32
        %mul3A_363 = arith.constant 256 : i32
        %mul3A_364 = arith.muli %add3A_362, %mul3A_363 : i32
        %add3A_365 = arith.constant 104 : i32
        %add3A_366 = arith.addi %mul3A_364, %add3A_365 : i32
        %dma_start3A_367 = arith.constant 1 : i32
        %dma_start3A_368 = arith.constant 0 : i32
        %dma_start3A_369 = arith.constant 0 : i32
        %dma_start3A_370 = tpu.memref_slice %arg6[%dma_start3A_367, %dma_start3A_368, %dma_start3A_369] : memref<4x200x64xf32, #tpu.memory_space<vmem>> -> memref<1x104x64xf32, #tpu.memory_space<vmem>>
        %dma_start3A_371 = tpu.memref_squeeze %dma_start3A_370 : memref<1x104x64xf32, #tpu.memory_space<vmem>> -> memref<104x64xf32, #tpu.memory_space<vmem>>
        %dma_start3A_372 = tpu.memref_slice %arg5[%mul3A_364] : memref<32768xi32, #tpu.memory_space<vmem>> -> memref<104xi32, #tpu.memory_space<vmem>>
        %dma_start3A_373 = arith.constant 0 : i32
        %dma_start3A_374 = arith.constant 0 : i32
        %dma_start3A_375 = tpu.memref_slice %arg3[%dma_start3A_373, %dma_start3A_374] : memref<100000x64xf32, #tpu.memory_space<hbm>> -> memref<100000x64xf32, #tpu.memory_space<hbm>>
        tpu.enqueue_indirect_dma source(%dma_start3A_375 : memref<100000x64xf32, #tpu.memory_space<hbm>>) target(%dma_start3A_371 : memref<104x64xf32, #tpu.memory_space<vmem>>) offsets(%dma_start3A_372 : memref<104xi32, #tpu.memory_space<vmem>>) semaphore(%arg8 : memref<!tpu.dma_semaphore, #tpu.memory_space<semaphore_mem>>)
        %dma_start3A_376 = arith.constant 1 : i32
        %dma_start3A_377 = arith.constant 104 : i32
        %dma_start3A_378 = arith.constant 0 : i32
        %dma_start3A_379 = tpu.memref_slice %arg6[%dma_start3A_376, %dma_start3A_377, %dma_start3A_378] : memref<4x200x64xf32, #tpu.memory_space<vmem>> -> memref<1x96x64xf32, #tpu.memory_space<vmem>>
        %dma_start3A_380 = tpu.memref_squeeze %dma_start3A_379 : memref<1x96x64xf32, #tpu.memory_space<vmem>> -> memref<96x64xf32, #tpu.memory_space<vmem>>
        %dma_start3A_381 = tpu.memref_slice %arg5[%add3A_366] : memref<32768xi32, #tpu.memory_space<vmem>> -> memref<96xi32, #tpu.memory_space<vmem>>
        %dma_start3A_382 = arith.constant 0 : i32
        %dma_start3A_383 = arith.constant 0 : i32
        %dma_start3A_384 = tpu.memref_slice %arg3[%dma_start3A_382, %dma_start3A_383] : memref<100000x64xf32, #tpu.memory_space<hbm>> -> memref<100000x64xf32, #tpu.memory_space<hbm>>
        tpu.enqueue_indirect_dma source(%dma_start3A_384 : memref<100000x64xf32, #tpu.memory_space<hbm>>) target(%dma_start3A_380 : memref<96x64xf32, #tpu.memory_space<vmem>>) offsets(%dma_start3A_381 : memref<96xi32, #tpu.memory_space<vmem>>) semaphore(%arg8 : memref<!tpu.dma_semaphore, #tpu.memory_space<semaphore_mem>>)
      } else {
      }
      %mul3A_223 = arith.constant 4 : i32
      %mul3A_224 = arith.muli %scan3A_90, %mul3A_223 : i32
      %add3A_225 = arith.constant 2 : i32
      %add3A_226 = arith.addi %mul3A_224, %add3A_225 : i32
      %mul3A_227 = arith.constant 256 : i32
      %mul3A_228 = arith.muli %add3A_226, %mul3A_227 : i32
      %add3A_229 = arith.constant 104 : i32
      %add3A_230 = arith.addi %mul3A_228, %add3A_229 : i32
      %dma_wait3A_231 = arith.constant 2 : i32
      %dma_wait3A_232 = arith.constant 0 : i32
      %dma_wait3A_233 = arith.constant 0 : i32
      %dma_wait3A_234 = tpu.memref_slice %arg6[%dma_wait3A_231, %dma_wait3A_232, %dma_wait3A_233] : memref<4x200x64xf32, #tpu.memory_space<vmem>> -> memref<1x104x64xf32, #tpu.memory_space<vmem>>
      %dma_wait3A_235 = tpu.memref_squeeze %dma_wait3A_234 : memref<1x104x64xf32, #tpu.memory_space<vmem>> -> memref<104x64xf32, #tpu.memory_space<vmem>>
      %dma_wait3A_236 = tpu.memref_slice %arg5[%mul3A_228] : memref<32768xi32, #tpu.memory_space<vmem>> -> memref<104xi32, #tpu.memory_space<vmem>>
      %dma_wait3A_237 = arith.constant 0 : i32
      %dma_wait3A_238 = arith.constant 0 : i32
      %dma_wait3A_239 = tpu.memref_slice %arg3[%dma_wait3A_237, %dma_wait3A_238] : memref<100000x64xf32, #tpu.memory_space<hbm>> -> memref<100000x64xf32, #tpu.memory_space<hbm>>
      tpu.wait_indirect_dma semaphore(%arg8 : memref<!tpu.dma_semaphore, #tpu.memory_space<semaphore_mem>>) src(%dma_wait3A_239 : memref<100000x64xf32, #tpu.memory_space<hbm>>) dst(%dma_wait3A_235 : memref<104x64xf32, #tpu.memory_space<vmem>>)
      %dma_wait3A_240 = arith.constant 2 : i32
      %dma_wait3A_241 = arith.constant 104 : i32
      %dma_wait3A_242 = arith.constant 0 : i32
      %dma_wait3A_243 = tpu.memref_slice %arg6[%dma_wait3A_240, %dma_wait3A_241, %dma_wait3A_242] : memref<4x200x64xf32, #tpu.memory_space<vmem>> -> memref<1x96x64xf32, #tpu.memory_space<vmem>>
      %dma_wait3A_244 = tpu.memref_squeeze %dma_wait3A_243 : memref<1x96x64xf32, #tpu.memory_space<vmem>> -> memref<96x64xf32, #tpu.memory_space<vmem>>
      %dma_wait3A_245 = tpu.memref_slice %arg5[%add3A_230] : memref<32768xi32, #tpu.memory_space<vmem>> -> memref<96xi32, #tpu.memory_space<vmem>>
      %dma_wait3A_246 = arith.constant 0 : i32
      %dma_wait3A_247 = arith.constant 0 : i32
      %dma_wait3A_248 = tpu.memref_slice %arg3[%dma_wait3A_246, %dma_wait3A_247] : memref<100000x64xf32, #tpu.memory_space<hbm>> -> memref<100000x64xf32, #tpu.memory_space<hbm>>
      tpu.wait_indirect_dma semaphore(%arg8 : memref<!tpu.dma_semaphore, #tpu.memory_space<semaphore_mem>>) src(%dma_wait3A_248 : memref<100000x64xf32, #tpu.memory_space<hbm>>) dst(%dma_wait3A_244 : memref<96x64xf32, #tpu.memory_space<vmem>>)
      %broadcast_in_dim3A_249 = arith.constant 0.000000e+00 : f32
      %broadcast_in_dim3A_250 = vector.broadcast %broadcast_in_dim3A_249 : f32 to vector<16xf32>
      %scan3A_251 = arith.constant 0 : i32
      %scan3A_252 = arith.constant 25 : i32
      %scan3A_253 = arith.addi %scan3A_251, %scan3A_252 : i32
      %scan3A_254 = arith.constant 1 : i32
      %scan3A_255:4 = scf.for %scan3A_361 = %scan3A_251 to %scan3A_253 step %scan3A_254 iter_args(%scan3A_362 = %broadcast_in_dim3A_250, %scan3A_363 = %broadcast_in_dim3A_250, %scan3A_364 = %broadcast_in_dim3A_250, %scan3A_365 = %broadcast_in_dim3A_250) -> (vector<16xf32>, vector<16xf32>, vector<16xf32>, vector<16xf32>)  : i32 {
        %mul3A_366 = arith.constant 8 : i32
        %mul3A_367 = arith.muli %scan3A_361, %mul3A_366 : i32
        %add3A_368 = arith.constant 0 : i32
        %add3A_369 = arith.addi %mul3A_367, %add3A_368 : i32
        %get3A = arith.constant 2 : i32
        %get3A_370 = arith.index_cast %get3A : i32 to index
        %get3A_371 = arith.index_cast %add3A_369 : i32 to index
        %get3A_372 = arith.constant 0 : index
        %get3A_373 = tpu.vector_load %arg6[%get3A_370, %get3A_371, %get3A_372] {strides = array<i32>} : memref<4x200x64xf32, #tpu.memory_space<vmem>>, vector<1x1x16xf32>,
        %get3A_374 = vector.shape_cast %get3A_373 : vector<1x1x16xf32> to vector<16xf32>
        %add3A_375 = arith.addf %scan3A_362, %get3A_374 : vector<16xf32>
        %add3A_376 = arith.constant 0 : i32
        %add3A_377 = arith.addi %mul3A_367, %add3A_376 : i32
        %get3A_378 = arith.constant 2 : i32
        %get3A_379 = arith.index_cast %get3A_378 : i32 to index
        %get3A_380 = arith.index_cast %add3A_377 : i32 to index
        %get3A_381 = arith.constant 16 : index
        %get3A_382 = tpu.vector_load %arg6[%get3A_379, %get3A_380, %get3A_381] {strides = array<i32>} : memref<4x200x64xf32, #tpu.memory_space<vmem>>, vector<1x1x16xf32>,
        %get3A_383 = vector.shape_cast %get3A_382 : vector<1x1x16xf32> to vector<16xf32>
        %add3A_384 = arith.addf %scan3A_363, %get3A_383 : vector<16xf32>
        %add3A_385 = arith.constant 0 : i32
        %add3A_386 = arith.addi %mul3A_367, %add3A_385 : i32
        %get3A_387 = arith.constant 2 : i32
        %get3A_388 = arith.index_cast %get3A_387 : i32 to index
        %get3A_389 = arith.index_cast %add3A_386 : i32 to index
        %get3A_390 = arith.constant 32 : index
        %get3A_391 = tpu.vector_load %arg6[%get3A_388, %get3A_389, %get3A_390] {strides = array<i32>} : memref<4x200x64xf32, #tpu.memory_space<vmem>>, vector<1x1x16xf32>,
        %get3A_392 = vector.shape_cast %get3A_391 : vector<1x1x16xf32> to vector<16xf32>
        %add3A_393 = arith.addf %scan3A_364, %get3A_392 : vector<16xf32>
        %add3A_394 = arith.constant 0 : i32
        %add3A_395 = arith.addi %mul3A_367, %add3A_394 : i32
        %get3A_396 = arith.constant 2 : i32
        %get3A_397 = arith.index_cast %get3A_396 : i32 to index
        %get3A_398 = arith.index_cast %add3A_395 : i32 to index
        %get3A_399 = arith.constant 48 : index
        %get3A_400 = tpu.vector_load %arg6[%get3A_397, %get3A_398, %get3A_399] {strides = array<i32>} : memref<4x200x64xf32, #tpu.memory_space<vmem>>, vector<1x1x16xf32>,
        %get3A_401 = vector.shape_cast %get3A_400 : vector<1x1x16xf32> to vector<16xf32>
        %add3A_402 = arith.addf %scan3A_365, %get3A_401 : vector<16xf32>
        %add3A_403 = arith.constant 1 : i32
        %add3A_404 = arith.addi %mul3A_367, %add3A_403 : i32
        %get3A_405 = arith.constant 2 : i32
        %get3A_406 = arith.index_cast %get3A_405 : i32 to index
        %get3A_407 = arith.index_cast %add3A_404 : i32 to index
        %get3A_408 = arith.constant 0 : index
        %get3A_409 = tpu.vector_load %arg6[%get3A_406, %get3A_407, %get3A_408] {strides = array<i32>} : memref<4x200x64xf32, #tpu.memory_space<vmem>>, vector<1x1x16xf32>,
        %get3A_410 = vector.shape_cast %get3A_409 : vector<1x1x16xf32> to vector<16xf32>
        %add3A_411 = arith.addf %add3A_375, %get3A_410 : vector<16xf32>
        %add3A_412 = arith.constant 1 : i32
        %add3A_413 = arith.addi %mul3A_367, %add3A_412 : i32
        %get3A_414 = arith.constant 2 : i32
        %get3A_415 = arith.index_cast %get3A_414 : i32 to index
        %get3A_416 = arith.index_cast %add3A_413 : i32 to index
        %get3A_417 = arith.constant 16 : index
        %get3A_418 = tpu.vector_load %arg6[%get3A_415, %get3A_416, %get3A_417] {strides = array<i32>} : memref<4x200x64xf32, #tpu.memory_space<vmem>>, vector<1x1x16xf32>,
        %get3A_419 = vector.shape_cast %get3A_418 : vector<1x1x16xf32> to vector<16xf32>
        %add3A_420 = arith.addf %add3A_384, %get3A_419 : vector<16xf32>
        %add3A_421 = arith.constant 1 : i32
        %add3A_422 = arith.addi %mul3A_367, %add3A_421 : i32
        %get3A_423 = arith.constant 2 : i32
        %get3A_424 = arith.index_cast %get3A_423 : i32 to index
        %get3A_425 = arith.index_cast %add3A_422 : i32 to index
        %get3A_426 = arith.constant 32 : index
        %get3A_427 = tpu.vector_load %arg6[%get3A_424, %get3A_425, %get3A_426] {strides = array<i32>} : memref<4x200x64xf32, #tpu.memory_space<vmem>>, vector<1x1x16xf32>,
        %get3A_428 = vector.shape_cast %get3A_427 : vector<1x1x16xf32> to vector<16xf32>
        %add3A_429 = arith.addf %add3A_393, %get3A_428 : vector<16xf32>
        %add3A_430 = arith.constant 1 : i32
        %add3A_431 = arith.addi %mul3A_367, %add3A_430 : i32
        %get3A_432 = arith.constant 2 : i32
        %get3A_433 = arith.index_cast %get3A_432 : i32 to index
        %get3A_434 = arith.index_cast %add3A_431 : i32 to index
        %get3A_435 = arith.constant 48 : index
        %get3A_436 = tpu.vector_load %arg6[%get3A_433, %get3A_434, %get3A_435] {strides = array<i32>} : memref<4x200x64xf32, #tpu.memory_space<vmem>>, vector<1x1x16xf32>,
        %get3A_437 = vector.shape_cast %get3A_436 : vector<1x1x16xf32> to vector<16xf32>
        %add3A_438 = arith.addf %add3A_402, %get3A_437 : vector<16xf32>
        %add3A_439 = arith.constant 2 : i32
        %add3A_440 = arith.addi %mul3A_367, %add3A_439 : i32
        %get3A_441 = arith.constant 2 : i32
        %get3A_442 = arith.index_cast %get3A_441 : i32 to index
        %get3A_443 = arith.index_cast %add3A_440 : i32 to index
        %get3A_444 = arith.constant 0 : index
        %get3A_445 = tpu.vector_load %arg6[%get3A_442, %get3A_443, %get3A_444] {strides = array<i32>} : memref<4x200x64xf32, #tpu.memory_space<vmem>>, vector<1x1x16xf32>,
        %get3A_446 = vector.shape_cast %get3A_445 : vector<1x1x16xf32> to vector<16xf32>
        %add3A_447 = arith.addf %add3A_411, %get3A_446 : vector<16xf32>
        %add3A_448 = arith.constant 2 : i32
        %add3A_449 = arith.addi %mul3A_367, %add3A_448 : i32
        %get3A_450 = arith.constant 2 : i32
        %get3A_451 = arith.index_cast %get3A_450 : i32 to index
        %get3A_452 = arith.index_cast %add3A_449 : i32 to index
        %get3A_453 = arith.constant 16 : index
        %get3A_454 = tpu.vector_load %arg6[%get3A_451, %get3A_452, %get3A_453] {strides = array<i32>} : memref<4x200x64xf32, #tpu.memory_space<vmem>>, vector<1x1x16xf32>,
        %get3A_455 = vector.shape_cast %get3A_454 : vector<1x1x16xf32> to vector<16xf32>
        %add3A_456 = arith.addf %add3A_420, %get3A_455 : vector<16xf32>
        %add3A_457 = arith.constant 2 : i32
        %add3A_458 = arith.addi %mul3A_367, %add3A_457 : i32
        %get3A_459 = arith.constant 2 : i32
        %get3A_460 = arith.index_cast %get3A_459 : i32 to index
        %get3A_461 = arith.index_cast %add3A_458 : i32 to index
        %get3A_462 = arith.constant 32 : index
        %get3A_463 = tpu.vector_load %arg6[%get3A_460, %get3A_461, %get3A_462] {strides = array<i32>} : memref<4x200x64xf32, #tpu.memory_space<vmem>>, vector<1x1x16xf32>,
        %get3A_464 = vector.shape_cast %get3A_463 : vector<1x1x16xf32> to vector<16xf32>
        %add3A_465 = arith.addf %add3A_429, %get3A_464 : vector<16xf32>
        %add3A_466 = arith.constant 2 : i32
        %add3A_467 = arith.addi %mul3A_367, %add3A_466 : i32
        %get3A_468 = arith.constant 2 : i32
        %get3A_469 = arith.index_cast %get3A_468 : i32 to index
        %get3A_470 = arith.index_cast %add3A_467 : i32 to index
        %get3A_471 = arith.constant 48 : index
        %get3A_472 = tpu.vector_load %arg6[%get3A_469, %get3A_470, %get3A_471] {strides = array<i32>} : memref<4x200x64xf32, #tpu.memory_space<vmem>>, vector<1x1x16xf32>,
        %get3A_473 = vector.shape_cast %get3A_472 : vector<1x1x16xf32> to vector<16xf32>
        %add3A_474 = arith.addf %add3A_438, %get3A_473 : vector<16xf32>
        %add3A_475 = arith.constant 3 : i32
        %add3A_476 = arith.addi %mul3A_367, %add3A_475 : i32
        %get3A_477 = arith.constant 2 : i32
        %get3A_478 = arith.index_cast %get3A_477 : i32 to index
        %get3A_479 = arith.index_cast %add3A_476 : i32 to index
        %get3A_480 = arith.constant 0 : index
        %get3A_481 = tpu.vector_load %arg6[%get3A_478, %get3A_479, %get3A_480] {strides = array<i32>} : memref<4x200x64xf32, #tpu.memory_space<vmem>>, vector<1x1x16xf32>,
        %get3A_482 = vector.shape_cast %get3A_481 : vector<1x1x16xf32> to vector<16xf32>
        %add3A_483 = arith.addf %add3A_447, %get3A_482 : vector<16xf32>
        %add3A_484 = arith.constant 3 : i32
        %add3A_485 = arith.addi %mul3A_367, %add3A_484 : i32
        %get3A_486 = arith.constant 2 : i32
        %get3A_487 = arith.index_cast %get3A_486 : i32 to index
        %get3A_488 = arith.index_cast %add3A_485 : i32 to index
        %get3A_489 = arith.constant 16 : index
        %get3A_490 = tpu.vector_load %arg6[%get3A_487, %get3A_488, %get3A_489] {strides = array<i32>} : memref<4x200x64xf32, #tpu.memory_space<vmem>>, vector<1x1x16xf32>,
        %get3A_491 = vector.shape_cast %get3A_490 : vector<1x1x16xf32> to vector<16xf32>
        %add3A_492 = arith.addf %add3A_456, %get3A_491 : vector<16xf32>
        %add3A_493 = arith.constant 3 : i32
        %add3A_494 = arith.addi %mul3A_367, %add3A_493 : i32
        %get3A_495 = arith.constant 2 : i32
        %get3A_496 = arith.index_cast %get3A_495 : i32 to index
        %get3A_497 = arith.index_cast %add3A_494 : i32 to index
        %get3A_498 = arith.constant 32 : index
        %get3A_499 = tpu.vector_load %arg6[%get3A_496, %get3A_497, %get3A_498] {strides = array<i32>} : memref<4x200x64xf32, #tpu.memory_space<vmem>>, vector<1x1x16xf32>,
        %get3A_500 = vector.shape_cast %get3A_499 : vector<1x1x16xf32> to vector<16xf32>
        %add3A_501 = arith.addf %add3A_465, %get3A_500 : vector<16xf32>
        %add3A_502 = arith.constant 3 : i32
        %add3A_503 = arith.addi %mul3A_367, %add3A_502 : i32
        %get3A_504 = arith.constant 2 : i32
        %get3A_505 = arith.index_cast %get3A_504 : i32 to index
        %get3A_506 = arith.index_cast %add3A_503 : i32 to index
        %get3A_507 = arith.constant 48 : index
        %get3A_508 = tpu.vector_load %arg6[%get3A_505, %get3A_506, %get3A_507] {strides = array<i32>} : memref<4x200x64xf32, #tpu.memory_space<vmem>>, vector<1x1x16xf32>,
        %get3A_509 = vector.shape_cast %get3A_508 : vector<1x1x16xf32> to vector<16xf32>
        %add3A_510 = arith.addf %add3A_474, %get3A_509 : vector<16xf32>
        %add3A_511 = arith.constant 4 : i32
        %add3A_512 = arith.addi %mul3A_367, %add3A_511 : i32
        %get3A_513 = arith.constant 2 : i32
        %get3A_514 = arith.index_cast %get3A_513 : i32 to index
        %get3A_515 = arith.index_cast %add3A_512 : i32 to index
        %get3A_516 = arith.constant 0 : index
        %get3A_517 = tpu.vector_load %arg6[%get3A_514, %get3A_515, %get3A_516] {strides = array<i32>} : memref<4x200x64xf32, #tpu.memory_space<vmem>>, vector<1x1x16xf32>,
        %get3A_518 = vector.shape_cast %get3A_517 : vector<1x1x16xf32> to vector<16xf32>
        %add3A_519 = arith.addf %add3A_483, %get3A_518 : vector<16xf32>
        %add3A_520 = arith.constant 4 : i32
        %add3A_521 = arith.addi %mul3A_367, %add3A_520 : i32
        %get3A_522 = arith.constant 2 : i32
        %get3A_523 = arith.index_cast %get3A_522 : i32 to index
        %get3A_524 = arith.index_cast %add3A_521 : i32 to index
        %get3A_525 = arith.constant 16 : index
        %get3A_526 = tpu.vector_load %arg6[%get3A_523, %get3A_524, %get3A_525] {strides = array<i32>} : memref<4x200x64xf32, #tpu.memory_space<vmem>>, vector<1x1x16xf32>,
        %get3A_527 = vector.shape_cast %get3A_526 : vector<1x1x16xf32> to vector<16xf32>
        %add3A_528 = arith.addf %add3A_492, %get3A_527 : vector<16xf32>
        %add3A_529 = arith.constant 4 : i32
        %add3A_530 = arith.addi %mul3A_367, %add3A_529 : i32
        %get3A_531 = arith.constant 2 : i32
        %get3A_532 = arith.index_cast %get3A_531 : i32 to index
        %get3A_533 = arith.index_cast %add3A_530 : i32 to index
        %get3A_534 = arith.constant 32 : index
        %get3A_535 = tpu.vector_load %arg6[%get3A_532, %get3A_533, %get3A_534] {strides = array<i32>} : memref<4x200x64xf32, #tpu.memory_space<vmem>>, vector<1x1x16xf32>,
        %get3A_536 = vector.shape_cast %get3A_535 : vector<1x1x16xf32> to vector<16xf32>
        %add3A_537 = arith.addf %add3A_501, %get3A_536 : vector<16xf32>
        %add3A_538 = arith.constant 4 : i32
        %add3A_539 = arith.addi %mul3A_367, %add3A_538 : i32
        %get3A_540 = arith.constant 2 : i32
        %get3A_541 = arith.index_cast %get3A_540 : i32 to index
        %get3A_542 = arith.index_cast %add3A_539 : i32 to index
        %get3A_543 = arith.constant 48 : index
        %get3A_544 = tpu.vector_load %arg6[%get3A_541, %get3A_542, %get3A_543] {strides = array<i32>} : memref<4x200x64xf32, #tpu.memory_space<vmem>>, vector<1x1x16xf32>,
        %get3A_545 = vector.shape_cast %get3A_544 : vector<1x1x16xf32> to vector<16xf32>
        %add3A_546 = arith.addf %add3A_510, %get3A_545 : vector<16xf32>
        %add3A_547 = arith.constant 5 : i32
        %add3A_548 = arith.addi %mul3A_367, %add3A_547 : i32
        %get3A_549 = arith.constant 2 : i32
        %get3A_550 = arith.index_cast %get3A_549 : i32 to index
        %get3A_551 = arith.index_cast %add3A_548 : i32 to index
        %get3A_552 = arith.constant 0 : index
        %get3A_553 = tpu.vector_load %arg6[%get3A_550, %get3A_551, %get3A_552] {strides = array<i32>} : memref<4x200x64xf32, #tpu.memory_space<vmem>>, vector<1x1x16xf32>,
        %get3A_554 = vector.shape_cast %get3A_553 : vector<1x1x16xf32> to vector<16xf32>
        %add3A_555 = arith.addf %add3A_519, %get3A_554 : vector<16xf32>
        %add3A_556 = arith.constant 5 : i32
        %add3A_557 = arith.addi %mul3A_367, %add3A_556 : i32
        %get3A_558 = arith.constant 2 : i32
        %get3A_559 = arith.index_cast %get3A_558 : i32 to index
        %get3A_560 = arith.index_cast %add3A_557 : i32 to index
        %get3A_561 = arith.constant 16 : index
        %get3A_562 = tpu.vector_load %arg6[%get3A_559, %get3A_560, %get3A_561] {strides = array<i32>} : memref<4x200x64xf32, #tpu.memory_space<vmem>>, vector<1x1x16xf32>,
        %get3A_563 = vector.shape_cast %get3A_562 : vector<1x1x16xf32> to vector<16xf32>
        %add3A_564 = arith.addf %add3A_528, %get3A_563 : vector<16xf32>
        %add3A_565 = arith.constant 5 : i32
        %add3A_566 = arith.addi %mul3A_367, %add3A_565 : i32
        %get3A_567 = arith.constant 2 : i32
        %get3A_568 = arith.index_cast %get3A_567 : i32 to index
        %get3A_569 = arith.index_cast %add3A_566 : i32 to index
        %get3A_570 = arith.constant 32 : index
        %get3A_571 = tpu.vector_load %arg6[%get3A_568, %get3A_569, %get3A_570] {strides = array<i32>} : memref<4x200x64xf32, #tpu.memory_space<vmem>>, vector<1x1x16xf32>,
        %get3A_572 = vector.shape_cast %get3A_571 : vector<1x1x16xf32> to vector<16xf32>
        %add3A_573 = arith.addf %add3A_537, %get3A_572 : vector<16xf32>
        %add3A_574 = arith.constant 5 : i32
        %add3A_575 = arith.addi %mul3A_367, %add3A_574 : i32
        %get3A_576 = arith.constant 2 : i32
        %get3A_577 = arith.index_cast %get3A_576 : i32 to index
        %get3A_578 = arith.index_cast %add3A_575 : i32 to index
        %get3A_579 = arith.constant 48 : index
        %get3A_580 = tpu.vector_load %arg6[%get3A_577, %get3A_578, %get3A_579] {strides = array<i32>} : memref<4x200x64xf32, #tpu.memory_space<vmem>>, vector<1x1x16xf32>,
        %get3A_581 = vector.shape_cast %get3A_580 : vector<1x1x16xf32> to vector<16xf32>
        %add3A_582 = arith.addf %add3A_546, %get3A_581 : vector<16xf32>
        %add3A_583 = arith.constant 6 : i32
        %add3A_584 = arith.addi %mul3A_367, %add3A_583 : i32
        %get3A_585 = arith.constant 2 : i32
        %get3A_586 = arith.index_cast %get3A_585 : i32 to index
        %get3A_587 = arith.index_cast %add3A_584 : i32 to index
        %get3A_588 = arith.constant 0 : index
        %get3A_589 = tpu.vector_load %arg6[%get3A_586, %get3A_587, %get3A_588] {strides = array<i32>} : memref<4x200x64xf32, #tpu.memory_space<vmem>>, vector<1x1x16xf32>,
        %get3A_590 = vector.shape_cast %get3A_589 : vector<1x1x16xf32> to vector<16xf32>
        %add3A_591 = arith.addf %add3A_555, %get3A_590 : vector<16xf32>
        %add3A_592 = arith.constant 6 : i32
        %add3A_593 = arith.addi %mul3A_367, %add3A_592 : i32
        %get3A_594 = arith.constant 2 : i32
        %get3A_595 = arith.index_cast %get3A_594 : i32 to index
        %get3A_596 = arith.index_cast %add3A_593 : i32 to index
        %get3A_597 = arith.constant 16 : index
        %get3A_598 = tpu.vector_load %arg6[%get3A_595, %get3A_596, %get3A_597] {strides = array<i32>} : memref<4x200x64xf32, #tpu.memory_space<vmem>>, vector<1x1x16xf32>,
        %get3A_599 = vector.shape_cast %get3A_598 : vector<1x1x16xf32> to vector<16xf32>
        %add3A_600 = arith.addf %add3A_564, %get3A_599 : vector<16xf32>
        %add3A_601 = arith.constant 6 : i32
        %add3A_602 = arith.addi %mul3A_367, %add3A_601 : i32
        %get3A_603 = arith.constant 2 : i32
        %get3A_604 = arith.index_cast %get3A_603 : i32 to index
        %get3A_605 = arith.index_cast %add3A_602 : i32 to index
        %get3A_606 = arith.constant 32 : index
        %get3A_607 = tpu.vector_load %arg6[%get3A_604, %get3A_605, %get3A_606] {strides = array<i32>} : memref<4x200x64xf32, #tpu.memory_space<vmem>>, vector<1x1x16xf32>,
        %get3A_608 = vector.shape_cast %get3A_607 : vector<1x1x16xf32> to vector<16xf32>
        %add3A_609 = arith.addf %add3A_573, %get3A_608 : vector<16xf32>
        %add3A_610 = arith.constant 6 : i32
        %add3A_611 = arith.addi %mul3A_367, %add3A_610 : i32
        %get3A_612 = arith.constant 2 : i32
        %get3A_613 = arith.index_cast %get3A_612 : i32 to index
        %get3A_614 = arith.index_cast %add3A_611 : i32 to index
        %get3A_615 = arith.constant 48 : index
        %get3A_616 = tpu.vector_load %arg6[%get3A_613, %get3A_614, %get3A_615] {strides = array<i32>} : memref<4x200x64xf32, #tpu.memory_space<vmem>>, vector<1x1x16xf32>,
        %get3A_617 = vector.shape_cast %get3A_616 : vector<1x1x16xf32> to vector<16xf32>
        %add3A_618 = arith.addf %add3A_582, %get3A_617 : vector<16xf32>
        %add3A_619 = arith.constant 7 : i32
        %add3A_620 = arith.addi %mul3A_367, %add3A_619 : i32
        %get3A_621 = arith.constant 2 : i32
        %get3A_622 = arith.index_cast %get3A_621 : i32 to index
        %get3A_623 = arith.index_cast %add3A_620 : i32 to index
        %get3A_624 = arith.constant 0 : index
        %get3A_625 = tpu.vector_load %arg6[%get3A_622, %get3A_623, %get3A_624] {strides = array<i32>} : memref<4x200x64xf32, #tpu.memory_space<vmem>>, vector<1x1x16xf32>,
        %get3A_626 = vector.shape_cast %get3A_625 : vector<1x1x16xf32> to vector<16xf32>
        %add3A_627 = arith.addf %add3A_591, %get3A_626 : vector<16xf32>
        %add3A_628 = arith.constant 7 : i32
        %add3A_629 = arith.addi %mul3A_367, %add3A_628 : i32
        %get3A_630 = arith.constant 2 : i32
        %get3A_631 = arith.index_cast %get3A_630 : i32 to index
        %get3A_632 = arith.index_cast %add3A_629 : i32 to index
        %get3A_633 = arith.constant 16 : index
        %get3A_634 = tpu.vector_load %arg6[%get3A_631, %get3A_632, %get3A_633] {strides = array<i32>} : memref<4x200x64xf32, #tpu.memory_space<vmem>>, vector<1x1x16xf32>,
        %get3A_635 = vector.shape_cast %get3A_634 : vector<1x1x16xf32> to vector<16xf32>
        %add3A_636 = arith.addf %add3A_600, %get3A_635 : vector<16xf32>
        %add3A_637 = arith.constant 7 : i32
        %add3A_638 = arith.addi %mul3A_367, %add3A_637 : i32
        %get3A_639 = arith.constant 2 : i32
        %get3A_640 = arith.index_cast %get3A_639 : i32 to index
        %get3A_641 = arith.index_cast %add3A_638 : i32 to index
        %get3A_642 = arith.constant 32 : index
        %get3A_643 = tpu.vector_load %arg6[%get3A_640, %get3A_641, %get3A_642] {strides = array<i32>} : memref<4x200x64xf32, #tpu.memory_space<vmem>>, vector<1x1x16xf32>,
        %get3A_644 = vector.shape_cast %get3A_643 : vector<1x1x16xf32> to vector<16xf32>
        %add3A_645 = arith.addf %add3A_609, %get3A_644 : vector<16xf32>
        %add3A_646 = arith.constant 7 : i32
        %add3A_647 = arith.addi %mul3A_367, %add3A_646 : i32
        %get3A_648 = arith.constant 2 : i32
        %get3A_649 = arith.index_cast %get3A_648 : i32 to index
        %get3A_650 = arith.index_cast %add3A_647 : i32 to index
        %get3A_651 = arith.constant 48 : index
        %get3A_652 = tpu.vector_load %arg6[%get3A_649, %get3A_650, %get3A_651] {strides = array<i32>} : memref<4x200x64xf32, #tpu.memory_space<vmem>>, vector<1x1x16xf32>,
        %get3A_653 = vector.shape_cast %get3A_652 : vector<1x1x16xf32> to vector<16xf32>
        %add3A_654 = arith.addf %add3A_618, %get3A_653 : vector<16xf32>
        scf.yield %add3A_627, %add3A_636, %add3A_645, %add3A_654 : vector<16xf32>, vector<16xf32>, vector<16xf32>, vector<16xf32>
      }
      %scan3A_256 = arith.constant 25 : i32
      %mul3A_257 = vector.broadcast %scan3A_82 : f32 to vector<16xf32>
      %mul3A_258 = arith.mulf %scan3A_255#0, %mul3A_257 : vector<16xf32>
      %swap3A_259 = arith.index_cast %add3A_226 : i32 to index
      %swap3A_260 = arith.constant 0 : index
      %swap3A_261 = tpu.vector_load %arg7[%swap3A_259, %swap3A_260] {strides = array<i32>} : memref<128x64xf32, #tpu.memory_space<vmem>>, vector<1x16xf32>,
      %swap3A_262 = vector.shape_cast %swap3A_261 : vector<1x16xf32> to vector<16xf32>
      %swap3A_263 = vector.shape_cast %mul3A_258 : vector<16xf32> to vector<1x16xf32>
      tpu.vector_store %arg7[%swap3A_259, %swap3A_260], %swap3A_263 {strides = array<i32>} : memref<128x64xf32, #tpu.memory_space<vmem>>, vector<1x16xf32>,
      %mul3A_264 = vector.broadcast %scan3A_82 : f32 to vector<16xf32>
      %mul3A_265 = arith.mulf %scan3A_255#1, %mul3A_264 : vector<16xf32>
      %swap3A_266 = arith.index_cast %add3A_226 : i32 to index
      %swap3A_267 = arith.constant 16 : index
      %swap3A_268 = tpu.vector_load %arg7[%swap3A_266, %swap3A_267] {strides = array<i32>} : memref<128x64xf32, #tpu.memory_space<vmem>>, vector<1x16xf32>,
      %swap3A_269 = vector.shape_cast %swap3A_268 : vector<1x16xf32> to vector<16xf32>
      %swap3A_270 = vector.shape_cast %mul3A_265 : vector<16xf32> to vector<1x16xf32>
      tpu.vector_store %arg7[%swap3A_266, %swap3A_267], %swap3A_270 {strides = array<i32>} : memref<128x64xf32, #tpu.memory_space<vmem>>, vector<1x16xf32>,
      %mul3A_271 = vector.broadcast %scan3A_82 : f32 to vector<16xf32>
      %mul3A_272 = arith.mulf %scan3A_255#2, %mul3A_271 : vector<16xf32>
      %swap3A_273 = arith.index_cast %add3A_226 : i32 to index
      %swap3A_274 = arith.constant 32 : index
      %swap3A_275 = tpu.vector_load %arg7[%swap3A_273, %swap3A_274] {strides = array<i32>} : memref<128x64xf32, #tpu.memory_space<vmem>>, vector<1x16xf32>,
      %swap3A_276 = vector.shape_cast %swap3A_275 : vector<1x16xf32> to vector<16xf32>
      %swap3A_277 = vector.shape_cast %mul3A_272 : vector<16xf32> to vector<1x16xf32>
      tpu.vector_store %arg7[%swap3A_273, %swap3A_274], %swap3A_277 {strides = array<i32>} : memref<128x64xf32, #tpu.memory_space<vmem>>, vector<1x16xf32>,
      %mul3A_278 = vector.broadcast %scan3A_82 : f32 to vector<16xf32>
      %mul3A_279 = arith.mulf %scan3A_255#3, %mul3A_278 : vector<16xf32>
      %swap3A_280 = arith.index_cast %add3A_226 : i32 to index
      %swap3A_281 = arith.constant 48 : index
      %swap3A_282 = tpu.vector_load %arg7[%swap3A_280, %swap3A_281] {strides = array<i32>} : memref<128x64xf32, #tpu.memory_space<vmem>>, vector<1x16xf32>,
      %swap3A_283 = vector.shape_cast %swap3A_282 : vector<1x16xf32> to vector<16xf32>
      %swap3A_284 = vector.shape_cast %mul3A_279 : vector<16xf32> to vector<1x16xf32>
      tpu.vector_store %arg7[%swap3A_280, %swap3A_281], %swap3A_284 {strides = array<i32>} : memref<128x64xf32, #tpu.memory_space<vmem>>, vector<1x16xf32>,
      %add3A_285 = arith.constant 4 : i32
      %add3A_286 = arith.addi %add3A_226, %add3A_285 : i32
      %lt3A_287 = arith.constant 128 : i32
      %lt3A_288 = arith.cmpi slt, %add3A_286, %lt3A_287 : i32
      %convert_element_type3A_289 = arith.extui %lt3A_288 : i1 to i32
      %cond3A_290 = arith.constant 0 : i32
      %cond3A_291 = arith.cmpi ne, %convert_element_type3A_289, %cond3A_290 : i32
      scf.if %cond3A_291 {
        %add3A_361 = arith.constant 4 : i32
        %add3A_362 = arith.addi %add3A_226, %add3A_361 : i32
        %mul3A_363 = arith.constant 256 : i32
        %mul3A_364 = arith.muli %add3A_362, %mul3A_363 : i32
        %add3A_365 = arith.constant 104 : i32
        %add3A_366 = arith.addi %mul3A_364, %add3A_365 : i32
        %dma_start3A_367 = arith.constant 2 : i32
        %dma_start3A_368 = arith.constant 0 : i32
        %dma_start3A_369 = arith.constant 0 : i32
        %dma_start3A_370 = tpu.memref_slice %arg6[%dma_start3A_367, %dma_start3A_368, %dma_start3A_369] : memref<4x200x64xf32, #tpu.memory_space<vmem>> -> memref<1x104x64xf32, #tpu.memory_space<vmem>>
        %dma_start3A_371 = tpu.memref_squeeze %dma_start3A_370 : memref<1x104x64xf32, #tpu.memory_space<vmem>> -> memref<104x64xf32, #tpu.memory_space<vmem>>
        %dma_start3A_372 = tpu.memref_slice %arg5[%mul3A_364] : memref<32768xi32, #tpu.memory_space<vmem>> -> memref<104xi32, #tpu.memory_space<vmem>>
        %dma_start3A_373 = arith.constant 0 : i32
        %dma_start3A_374 = arith.constant 0 : i32
        %dma_start3A_375 = tpu.memref_slice %arg3[%dma_start3A_373, %dma_start3A_374] : memref<100000x64xf32, #tpu.memory_space<hbm>> -> memref<100000x64xf32, #tpu.memory_space<hbm>>
        tpu.enqueue_indirect_dma source(%dma_start3A_375 : memref<100000x64xf32, #tpu.memory_space<hbm>>) target(%dma_start3A_371 : memref<104x64xf32, #tpu.memory_space<vmem>>) offsets(%dma_start3A_372 : memref<104xi32, #tpu.memory_space<vmem>>) semaphore(%arg8 : memref<!tpu.dma_semaphore, #tpu.memory_space<semaphore_mem>>)
        %dma_start3A_376 = arith.constant 2 : i32
        %dma_start3A_377 = arith.constant 104 : i32
        %dma_start3A_378 = arith.constant 0 : i32
        %dma_start3A_379 = tpu.memref_slice %arg6[%dma_start3A_376, %dma_start3A_377, %dma_start3A_378] : memref<4x200x64xf32, #tpu.memory_space<vmem>> -> memref<1x96x64xf32, #tpu.memory_space<vmem>>
        %dma_start3A_380 = tpu.memref_squeeze %dma_start3A_379 : memref<1x96x64xf32, #tpu.memory_space<vmem>> -> memref<96x64xf32, #tpu.memory_space<vmem>>
        %dma_start3A_381 = tpu.memref_slice %arg5[%add3A_366] : memref<32768xi32, #tpu.memory_space<vmem>> -> memref<96xi32, #tpu.memory_space<vmem>>
        %dma_start3A_382 = arith.constant 0 : i32
        %dma_start3A_383 = arith.constant 0 : i32
        %dma_start3A_384 = tpu.memref_slice %arg3[%dma_start3A_382, %dma_start3A_383] : memref<100000x64xf32, #tpu.memory_space<hbm>> -> memref<100000x64xf32, #tpu.memory_space<hbm>>
        tpu.enqueue_indirect_dma source(%dma_start3A_384 : memref<100000x64xf32, #tpu.memory_space<hbm>>) target(%dma_start3A_380 : memref<96x64xf32, #tpu.memory_space<vmem>>) offsets(%dma_start3A_381 : memref<96xi32, #tpu.memory_space<vmem>>) semaphore(%arg8 : memref<!tpu.dma_semaphore, #tpu.memory_space<semaphore_mem>>)
      } else {
      }
      %mul3A_292 = arith.constant 4 : i32
      %mul3A_293 = arith.muli %scan3A_90, %mul3A_292 : i32
      %add3A_294 = arith.constant 3 : i32
      %add3A_295 = arith.addi %mul3A_293, %add3A_294 : i32
      %mul3A_296 = arith.constant 256 : i32
      %mul3A_297 = arith.muli %add3A_295, %mul3A_296 : i32
      %add3A_298 = arith.constant 104 : i32
      %add3A_299 = arith.addi %mul3A_297, %add3A_298 : i32
      %dma_wait3A_300 = arith.constant 3 : i32
      %dma_wait3A_301 = arith.constant 0 : i32
      %dma_wait3A_302 = arith.constant 0 : i32
      %dma_wait3A_303 = tpu.memref_slice %arg6[%dma_wait3A_300, %dma_wait3A_301, %dma_wait3A_302] : memref<4x200x64xf32, #tpu.memory_space<vmem>> -> memref<1x104x64xf32, #tpu.memory_space<vmem>>
      %dma_wait3A_304 = tpu.memref_squeeze %dma_wait3A_303 : memref<1x104x64xf32, #tpu.memory_space<vmem>> -> memref<104x64xf32, #tpu.memory_space<vmem>>
      %dma_wait3A_305 = tpu.memref_slice %arg5[%mul3A_297] : memref<32768xi32, #tpu.memory_space<vmem>> -> memref<104xi32, #tpu.memory_space<vmem>>
      %dma_wait3A_306 = arith.constant 0 : i32
      %dma_wait3A_307 = arith.constant 0 : i32
      %dma_wait3A_308 = tpu.memref_slice %arg3[%dma_wait3A_306, %dma_wait3A_307] : memref<100000x64xf32, #tpu.memory_space<hbm>> -> memref<100000x64xf32, #tpu.memory_space<hbm>>
      tpu.wait_indirect_dma semaphore(%arg8 : memref<!tpu.dma_semaphore, #tpu.memory_space<semaphore_mem>>) src(%dma_wait3A_308 : memref<100000x64xf32, #tpu.memory_space<hbm>>) dst(%dma_wait3A_304 : memref<104x64xf32, #tpu.memory_space<vmem>>)
      %dma_wait3A_309 = arith.constant 3 : i32
      %dma_wait3A_310 = arith.constant 104 : i32
      %dma_wait3A_311 = arith.constant 0 : i32
      %dma_wait3A_312 = tpu.memref_slice %arg6[%dma_wait3A_309, %dma_wait3A_310, %dma_wait3A_311] : memref<4x200x64xf32, #tpu.memory_space<vmem>> -> memref<1x96x64xf32, #tpu.memory_space<vmem>>
      %dma_wait3A_313 = tpu.memref_squeeze %dma_wait3A_312 : memref<1x96x64xf32, #tpu.memory_space<vmem>> -> memref<96x64xf32, #tpu.memory_space<vmem>>
      %dma_wait3A_314 = tpu.memref_slice %arg5[%add3A_299] : memref<32768xi32, #tpu.memory_space<vmem>> -> memref<96xi32, #tpu.memory_space<vmem>>
      %dma_wait3A_315 = arith.constant 0 : i32
      %dma_wait3A_316 = arith.constant 0 : i32
      %dma_wait3A_317 = tpu.memref_slice %arg3[%dma_wait3A_315, %dma_wait3A_316] : memref<100000x64xf32, #tpu.memory_space<hbm>> -> memref<100000x64xf32, #tpu.memory_space<hbm>>
      tpu.wait_indirect_dma semaphore(%arg8 : memref<!tpu.dma_semaphore, #tpu.memory_space<semaphore_mem>>) src(%dma_wait3A_317 : memref<100000x64xf32, #tpu.memory_space<hbm>>) dst(%dma_wait3A_313 : memref<96x64xf32, #tpu.memory_space<vmem>>)
      %broadcast_in_dim3A_318 = arith.constant 0.000000e+00 : f32
      %broadcast_in_dim3A_319 = vector.broadcast %broadcast_in_dim3A_318 : f32 to vector<16xf32>
      %scan3A_320 = arith.constant 0 : i32
      %scan3A_321 = arith.constant 25 : i32
      %scan3A_322 = arith.addi %scan3A_320, %scan3A_321 : i32
      %scan3A_323 = arith.constant 1 : i32
      %scan3A_324:4 = scf.for %scan3A_361 = %scan3A_320 to %scan3A_322 step %scan3A_323 iter_args(%scan3A_362 = %broadcast_in_dim3A_319, %scan3A_363 = %broadcast_in_dim3A_319, %scan3A_364 = %broadcast_in_dim3A_319, %scan3A_365 = %broadcast_in_dim3A_319) -> (vector<16xf32>, vector<16xf32>, vector<16xf32>, vector<16xf32>)  : i32 {
        %mul3A_366 = arith.constant 8 : i32
        %mul3A_367 = arith.muli %scan3A_361, %mul3A_366 : i32
        %add3A_368 = arith.constant 0 : i32
        %add3A_369 = arith.addi %mul3A_367, %add3A_368 : i32
        %get3A = arith.constant 3 : i32
        %get3A_370 = arith.index_cast %get3A : i32 to index
        %get3A_371 = arith.index_cast %add3A_369 : i32 to index
        %get3A_372 = arith.constant 0 : index
        %get3A_373 = tpu.vector_load %arg6[%get3A_370, %get3A_371, %get3A_372] {strides = array<i32>} : memref<4x200x64xf32, #tpu.memory_space<vmem>>, vector<1x1x16xf32>,
        %get3A_374 = vector.shape_cast %get3A_373 : vector<1x1x16xf32> to vector<16xf32>
        %add3A_375 = arith.addf %scan3A_362, %get3A_374 : vector<16xf32>
        %add3A_376 = arith.constant 0 : i32
        %add3A_377 = arith.addi %mul3A_367, %add3A_376 : i32
        %get3A_378 = arith.constant 3 : i32
        %get3A_379 = arith.index_cast %get3A_378 : i32 to index
        %get3A_380 = arith.index_cast %add3A_377 : i32 to index
        %get3A_381 = arith.constant 16 : index
        %get3A_382 = tpu.vector_load %arg6[%get3A_379, %get3A_380, %get3A_381] {strides = array<i32>} : memref<4x200x64xf32, #tpu.memory_space<vmem>>, vector<1x1x16xf32>,
        %get3A_383 = vector.shape_cast %get3A_382 : vector<1x1x16xf32> to vector<16xf32>
        %add3A_384 = arith.addf %scan3A_363, %get3A_383 : vector<16xf32>
        %add3A_385 = arith.constant 0 : i32
        %add3A_386 = arith.addi %mul3A_367, %add3A_385 : i32
        %get3A_387 = arith.constant 3 : i32
        %get3A_388 = arith.index_cast %get3A_387 : i32 to index
        %get3A_389 = arith.index_cast %add3A_386 : i32 to index
        %get3A_390 = arith.constant 32 : index
        %get3A_391 = tpu.vector_load %arg6[%get3A_388, %get3A_389, %get3A_390] {strides = array<i32>} : memref<4x200x64xf32, #tpu.memory_space<vmem>>, vector<1x1x16xf32>,
        %get3A_392 = vector.shape_cast %get3A_391 : vector<1x1x16xf32> to vector<16xf32>
        %add3A_393 = arith.addf %scan3A_364, %get3A_392 : vector<16xf32>
        %add3A_394 = arith.constant 0 : i32
        %add3A_395 = arith.addi %mul3A_367, %add3A_394 : i32
        %get3A_396 = arith.constant 3 : i32
        %get3A_397 = arith.index_cast %get3A_396 : i32 to index
        %get3A_398 = arith.index_cast %add3A_395 : i32 to index
        %get3A_399 = arith.constant 48 : index
        %get3A_400 = tpu.vector_load %arg6[%get3A_397, %get3A_398, %get3A_399] {strides = array<i32>} : memref<4x200x64xf32, #tpu.memory_space<vmem>>, vector<1x1x16xf32>,
        %get3A_401 = vector.shape_cast %get3A_400 : vector<1x1x16xf32> to vector<16xf32>
        %add3A_402 = arith.addf %scan3A_365, %get3A_401 : vector<16xf32>
        %add3A_403 = arith.constant 1 : i32
        %add3A_404 = arith.addi %mul3A_367, %add3A_403 : i32
        %get3A_405 = arith.constant 3 : i32
        %get3A_406 = arith.index_cast %get3A_405 : i32 to index
        %get3A_407 = arith.index_cast %add3A_404 : i32 to index
        %get3A_408 = arith.constant 0 : index
        %get3A_409 = tpu.vector_load %arg6[%get3A_406, %get3A_407, %get3A_408] {strides = array<i32>} : memref<4x200x64xf32, #tpu.memory_space<vmem>>, vector<1x1x16xf32>,
        %get3A_410 = vector.shape_cast %get3A_409 : vector<1x1x16xf32> to vector<16xf32>
        %add3A_411 = arith.addf %add3A_375, %get3A_410 : vector<16xf32>
        %add3A_412 = arith.constant 1 : i32
        %add3A_413 = arith.addi %mul3A_367, %add3A_412 : i32
        %get3A_414 = arith.constant 3 : i32
        %get3A_415 = arith.index_cast %get3A_414 : i32 to index
        %get3A_416 = arith.index_cast %add3A_413 : i32 to index
        %get3A_417 = arith.constant 16 : index
        %get3A_418 = tpu.vector_load %arg6[%get3A_415, %get3A_416, %get3A_417] {strides = array<i32>} : memref<4x200x64xf32, #tpu.memory_space<vmem>>, vector<1x1x16xf32>,
        %get3A_419 = vector.shape_cast %get3A_418 : vector<1x1x16xf32> to vector<16xf32>
        %add3A_420 = arith.addf %add3A_384, %get3A_419 : vector<16xf32>
        %add3A_421 = arith.constant 1 : i32
        %add3A_422 = arith.addi %mul3A_367, %add3A_421 : i32
        %get3A_423 = arith.constant 3 : i32
        %get3A_424 = arith.index_cast %get3A_423 : i32 to index
        %get3A_425 = arith.index_cast %add3A_422 : i32 to index
        %get3A_426 = arith.constant 32 : index
        %get3A_427 = tpu.vector_load %arg6[%get3A_424, %get3A_425, %get3A_426] {strides = array<i32>} : memref<4x200x64xf32, #tpu.memory_space<vmem>>, vector<1x1x16xf32>,
        %get3A_428 = vector.shape_cast %get3A_427 : vector<1x1x16xf32> to vector<16xf32>
        %add3A_429 = arith.addf %add3A_393, %get3A_428 : vector<16xf32>
        %add3A_430 = arith.constant 1 : i32
        %add3A_431 = arith.addi %mul3A_367, %add3A_430 : i32
        %get3A_432 = arith.constant 3 : i32
        %get3A_433 = arith.index_cast %get3A_432 : i32 to index
        %get3A_434 = arith.index_cast %add3A_431 : i32 to index
        %get3A_435 = arith.constant 48 : index
        %get3A_436 = tpu.vector_load %arg6[%get3A_433, %get3A_434, %get3A_435] {strides = array<i32>} : memref<4x200x64xf32, #tpu.memory_space<vmem>>, vector<1x1x16xf32>,
        %get3A_437 = vector.shape_cast %get3A_436 : vector<1x1x16xf32> to vector<16xf32>
        %add3A_438 = arith.addf %add3A_402, %get3A_437 : vector<16xf32>
        %add3A_439 = arith.constant 2 : i32
        %add3A_440 = arith.addi %mul3A_367, %add3A_439 : i32
        %get3A_441 = arith.constant 3 : i32
        %get3A_442 = arith.index_cast %get3A_441 : i32 to index
        %get3A_443 = arith.index_cast %add3A_440 : i32 to index
        %get3A_444 = arith.constant 0 : index
        %get3A_445 = tpu.vector_load %arg6[%get3A_442, %get3A_443, %get3A_444] {strides = array<i32>} : memref<4x200x64xf32, #tpu.memory_space<vmem>>, vector<1x1x16xf32>,
        %get3A_446 = vector.shape_cast %get3A_445 : vector<1x1x16xf32> to vector<16xf32>
        %add3A_447 = arith.addf %add3A_411, %get3A_446 : vector<16xf32>
        %add3A_448 = arith.constant 2 : i32
        %add3A_449 = arith.addi %mul3A_367, %add3A_448 : i32
        %get3A_450 = arith.constant 3 : i32
        %get3A_451 = arith.index_cast %get3A_450 : i32 to index
        %get3A_452 = arith.index_cast %add3A_449 : i32 to index
        %get3A_453 = arith.constant 16 : index
        %get3A_454 = tpu.vector_load %arg6[%get3A_451, %get3A_452, %get3A_453] {strides = array<i32>} : memref<4x200x64xf32, #tpu.memory_space<vmem>>, vector<1x1x16xf32>,
        %get3A_455 = vector.shape_cast %get3A_454 : vector<1x1x16xf32> to vector<16xf32>
        %add3A_456 = arith.addf %add3A_420, %get3A_455 : vector<16xf32>
        %add3A_457 = arith.constant 2 : i32
        %add3A_458 = arith.addi %mul3A_367, %add3A_457 : i32
        %get3A_459 = arith.constant 3 : i32
        %get3A_460 = arith.index_cast %get3A_459 : i32 to index
        %get3A_461 = arith.index_cast %add3A_458 : i32 to index
        %get3A_462 = arith.constant 32 : index
        %get3A_463 = tpu.vector_load %arg6[%get3A_460, %get3A_461, %get3A_462] {strides = array<i32>} : memref<4x200x64xf32, #tpu.memory_space<vmem>>, vector<1x1x16xf32>,
        %get3A_464 = vector.shape_cast %get3A_463 : vector<1x1x16xf32> to vector<16xf32>
        %add3A_465 = arith.addf %add3A_429, %get3A_464 : vector<16xf32>
        %add3A_466 = arith.constant 2 : i32
        %add3A_467 = arith.addi %mul3A_367, %add3A_466 : i32
        %get3A_468 = arith.constant 3 : i32
        %get3A_469 = arith.index_cast %get3A_468 : i32 to index
        %get3A_470 = arith.index_cast %add3A_467 : i32 to index
        %get3A_471 = arith.constant 48 : index
        %get3A_472 = tpu.vector_load %arg6[%get3A_469, %get3A_470, %get3A_471] {strides = array<i32>} : memref<4x200x64xf32, #tpu.memory_space<vmem>>, vector<1x1x16xf32>,
        %get3A_473 = vector.shape_cast %get3A_472 : vector<1x1x16xf32> to vector<16xf32>
        %add3A_474 = arith.addf %add3A_438, %get3A_473 : vector<16xf32>
        %add3A_475 = arith.constant 3 : i32
        %add3A_476 = arith.addi %mul3A_367, %add3A_475 : i32
        %get3A_477 = arith.constant 3 : i32
        %get3A_478 = arith.index_cast %get3A_477 : i32 to index
        %get3A_479 = arith.index_cast %add3A_476 : i32 to index
        %get3A_480 = arith.constant 0 : index
        %get3A_481 = tpu.vector_load %arg6[%get3A_478, %get3A_479, %get3A_480] {strides = array<i32>} : memref<4x200x64xf32, #tpu.memory_space<vmem>>, vector<1x1x16xf32>,
        %get3A_482 = vector.shape_cast %get3A_481 : vector<1x1x16xf32> to vector<16xf32>
        %add3A_483 = arith.addf %add3A_447, %get3A_482 : vector<16xf32>
        %add3A_484 = arith.constant 3 : i32
        %add3A_485 = arith.addi %mul3A_367, %add3A_484 : i32
        %get3A_486 = arith.constant 3 : i32
        %get3A_487 = arith.index_cast %get3A_486 : i32 to index
        %get3A_488 = arith.index_cast %add3A_485 : i32 to index
        %get3A_489 = arith.constant 16 : index
        %get3A_490 = tpu.vector_load %arg6[%get3A_487, %get3A_488, %get3A_489] {strides = array<i32>} : memref<4x200x64xf32, #tpu.memory_space<vmem>>, vector<1x1x16xf32>,
        %get3A_491 = vector.shape_cast %get3A_490 : vector<1x1x16xf32> to vector<16xf32>
        %add3A_492 = arith.addf %add3A_456, %get3A_491 : vector<16xf32>
        %add3A_493 = arith.constant 3 : i32
        %add3A_494 = arith.addi %mul3A_367, %add3A_493 : i32
        %get3A_495 = arith.constant 3 : i32
        %get3A_496 = arith.index_cast %get3A_495 : i32 to index
        %get3A_497 = arith.index_cast %add3A_494 : i32 to index
        %get3A_498 = arith.constant 32 : index
        %get3A_499 = tpu.vector_load %arg6[%get3A_496, %get3A_497, %get3A_498] {strides = array<i32>} : memref<4x200x64xf32, #tpu.memory_space<vmem>>, vector<1x1x16xf32>,
        %get3A_500 = vector.shape_cast %get3A_499 : vector<1x1x16xf32> to vector<16xf32>
        %add3A_501 = arith.addf %add3A_465, %get3A_500 : vector<16xf32>
        %add3A_502 = arith.constant 3 : i32
        %add3A_503 = arith.addi %mul3A_367, %add3A_502 : i32
        %get3A_504 = arith.constant 3 : i32
        %get3A_505 = arith.index_cast %get3A_504 : i32 to index
        %get3A_506 = arith.index_cast %add3A_503 : i32 to index
        %get3A_507 = arith.constant 48 : index
        %get3A_508 = tpu.vector_load %arg6[%get3A_505, %get3A_506, %get3A_507] {strides = array<i32>} : memref<4x200x64xf32, #tpu.memory_space<vmem>>, vector<1x1x16xf32>,
        %get3A_509 = vector.shape_cast %get3A_508 : vector<1x1x16xf32> to vector<16xf32>
        %add3A_510 = arith.addf %add3A_474, %get3A_509 : vector<16xf32>
        %add3A_511 = arith.constant 4 : i32
        %add3A_512 = arith.addi %mul3A_367, %add3A_511 : i32
        %get3A_513 = arith.constant 3 : i32
        %get3A_514 = arith.index_cast %get3A_513 : i32 to index
        %get3A_515 = arith.index_cast %add3A_512 : i32 to index
        %get3A_516 = arith.constant 0 : index
        %get3A_517 = tpu.vector_load %arg6[%get3A_514, %get3A_515, %get3A_516] {strides = array<i32>} : memref<4x200x64xf32, #tpu.memory_space<vmem>>, vector<1x1x16xf32>,
        %get3A_518 = vector.shape_cast %get3A_517 : vector<1x1x16xf32> to vector<16xf32>
        %add3A_519 = arith.addf %add3A_483, %get3A_518 : vector<16xf32>
        %add3A_520 = arith.constant 4 : i32
        %add3A_521 = arith.addi %mul3A_367, %add3A_520 : i32
        %get3A_522 = arith.constant 3 : i32
        %get3A_523 = arith.index_cast %get3A_522 : i32 to index
        %get3A_524 = arith.index_cast %add3A_521 : i32 to index
        %get3A_525 = arith.constant 16 : index
        %get3A_526 = tpu.vector_load %arg6[%get3A_523, %get3A_524, %get3A_525] {strides = array<i32>} : memref<4x200x64xf32, #tpu.memory_space<vmem>>, vector<1x1x16xf32>,
        %get3A_527 = vector.shape_cast %get3A_526 : vector<1x1x16xf32> to vector<16xf32>
        %add3A_528 = arith.addf %add3A_492, %get3A_527 : vector<16xf32>
        %add3A_529 = arith.constant 4 : i32
        %add3A_530 = arith.addi %mul3A_367, %add3A_529 : i32
        %get3A_531 = arith.constant 3 : i32
        %get3A_532 = arith.index_cast %get3A_531 : i32 to index
        %get3A_533 = arith.index_cast %add3A_530 : i32 to index
        %get3A_534 = arith.constant 32 : index
        %get3A_535 = tpu.vector_load %arg6[%get3A_532, %get3A_533, %get3A_534] {strides = array<i32>} : memref<4x200x64xf32, #tpu.memory_space<vmem>>, vector<1x1x16xf32>,
        %get3A_536 = vector.shape_cast %get3A_535 : vector<1x1x16xf32> to vector<16xf32>
        %add3A_537 = arith.addf %add3A_501, %get3A_536 : vector<16xf32>
        %add3A_538 = arith.constant 4 : i32
        %add3A_539 = arith.addi %mul3A_367, %add3A_538 : i32
        %get3A_540 = arith.constant 3 : i32
        %get3A_541 = arith.index_cast %get3A_540 : i32 to index
        %get3A_542 = arith.index_cast %add3A_539 : i32 to index
        %get3A_543 = arith.constant 48 : index
        %get3A_544 = tpu.vector_load %arg6[%get3A_541, %get3A_542, %get3A_543] {strides = array<i32>} : memref<4x200x64xf32, #tpu.memory_space<vmem>>, vector<1x1x16xf32>,
        %get3A_545 = vector.shape_cast %get3A_544 : vector<1x1x16xf32> to vector<16xf32>
        %add3A_546 = arith.addf %add3A_510, %get3A_545 : vector<16xf32>
        %add3A_547 = arith.constant 5 : i32
        %add3A_548 = arith.addi %mul3A_367, %add3A_547 : i32
        %get3A_549 = arith.constant 3 : i32
        %get3A_550 = arith.index_cast %get3A_549 : i32 to index
        %get3A_551 = arith.index_cast %add3A_548 : i32 to index
        %get3A_552 = arith.constant 0 : index
        %get3A_553 = tpu.vector_load %arg6[%get3A_550, %get3A_551, %get3A_552] {strides = array<i32>} : memref<4x200x64xf32, #tpu.memory_space<vmem>>, vector<1x1x16xf32>,
        %get3A_554 = vector.shape_cast %get3A_553 : vector<1x1x16xf32> to vector<16xf32>
        %add3A_555 = arith.addf %add3A_519, %get3A_554 : vector<16xf32>
        %add3A_556 = arith.constant 5 : i32
        %add3A_557 = arith.addi %mul3A_367, %add3A_556 : i32
        %get3A_558 = arith.constant 3 : i32
        %get3A_559 = arith.index_cast %get3A_558 : i32 to index
        %get3A_560 = arith.index_cast %add3A_557 : i32 to index
        %get3A_561 = arith.constant 16 : index
        %get3A_562 = tpu.vector_load %arg6[%get3A_559, %get3A_560, %get3A_561] {strides = array<i32>} : memref<4x200x64xf32, #tpu.memory_space<vmem>>, vector<1x1x16xf32>,
        %get3A_563 = vector.shape_cast %get3A_562 : vector<1x1x16xf32> to vector<16xf32>
        %add3A_564 = arith.addf %add3A_528, %get3A_563 : vector<16xf32>
        %add3A_565 = arith.constant 5 : i32
        %add3A_566 = arith.addi %mul3A_367, %add3A_565 : i32
        %get3A_567 = arith.constant 3 : i32
        %get3A_568 = arith.index_cast %get3A_567 : i32 to index
        %get3A_569 = arith.index_cast %add3A_566 : i32 to index
        %get3A_570 = arith.constant 32 : index
        %get3A_571 = tpu.vector_load %arg6[%get3A_568, %get3A_569, %get3A_570] {strides = array<i32>} : memref<4x200x64xf32, #tpu.memory_space<vmem>>, vector<1x1x16xf32>,
        %get3A_572 = vector.shape_cast %get3A_571 : vector<1x1x16xf32> to vector<16xf32>
        %add3A_573 = arith.addf %add3A_537, %get3A_572 : vector<16xf32>
        %add3A_574 = arith.constant 5 : i32
        %add3A_575 = arith.addi %mul3A_367, %add3A_574 : i32
        %get3A_576 = arith.constant 3 : i32
        %get3A_577 = arith.index_cast %get3A_576 : i32 to index
        %get3A_578 = arith.index_cast %add3A_575 : i32 to index
        %get3A_579 = arith.constant 48 : index
        %get3A_580 = tpu.vector_load %arg6[%get3A_577, %get3A_578, %get3A_579] {strides = array<i32>} : memref<4x200x64xf32, #tpu.memory_space<vmem>>, vector<1x1x16xf32>,
        %get3A_581 = vector.shape_cast %get3A_580 : vector<1x1x16xf32> to vector<16xf32>
        %add3A_582 = arith.addf %add3A_546, %get3A_581 : vector<16xf32>
        %add3A_583 = arith.constant 6 : i32
        %add3A_584 = arith.addi %mul3A_367, %add3A_583 : i32
        %get3A_585 = arith.constant 3 : i32
        %get3A_586 = arith.index_cast %get3A_585 : i32 to index
        %get3A_587 = arith.index_cast %add3A_584 : i32 to index
        %get3A_588 = arith.constant 0 : index
        %get3A_589 = tpu.vector_load %arg6[%get3A_586, %get3A_587, %get3A_588] {strides = array<i32>} : memref<4x200x64xf32, #tpu.memory_space<vmem>>, vector<1x1x16xf32>,
        %get3A_590 = vector.shape_cast %get3A_589 : vector<1x1x16xf32> to vector<16xf32>
        %add3A_591 = arith.addf %add3A_555, %get3A_590 : vector<16xf32>
        %add3A_592 = arith.constant 6 : i32
        %add3A_593 = arith.addi %mul3A_367, %add3A_592 : i32
        %get3A_594 = arith.constant 3 : i32
        %get3A_595 = arith.index_cast %get3A_594 : i32 to index
        %get3A_596 = arith.index_cast %add3A_593 : i32 to index
        %get3A_597 = arith.constant 16 : index
        %get3A_598 = tpu.vector_load %arg6[%get3A_595, %get3A_596, %get3A_597] {strides = array<i32>} : memref<4x200x64xf32, #tpu.memory_space<vmem>>, vector<1x1x16xf32>,
        %get3A_599 = vector.shape_cast %get3A_598 : vector<1x1x16xf32> to vector<16xf32>
        %add3A_600 = arith.addf %add3A_564, %get3A_599 : vector<16xf32>
        %add3A_601 = arith.constant 6 : i32
        %add3A_602 = arith.addi %mul3A_367, %add3A_601 : i32
        %get3A_603 = arith.constant 3 : i32
        %get3A_604 = arith.index_cast %get3A_603 : i32 to index
        %get3A_605 = arith.index_cast %add3A_602 : i32 to index
        %get3A_606 = arith.constant 32 : index
        %get3A_607 = tpu.vector_load %arg6[%get3A_604, %get3A_605, %get3A_606] {strides = array<i32>} : memref<4x200x64xf32, #tpu.memory_space<vmem>>, vector<1x1x16xf32>,
        %get3A_608 = vector.shape_cast %get3A_607 : vector<1x1x16xf32> to vector<16xf32>
        %add3A_609 = arith.addf %add3A_573, %get3A_608 : vector<16xf32>
        %add3A_610 = arith.constant 6 : i32
        %add3A_611 = arith.addi %mul3A_367, %add3A_610 : i32
        %get3A_612 = arith.constant 3 : i32
        %get3A_613 = arith.index_cast %get3A_612 : i32 to index
        %get3A_614 = arith.index_cast %add3A_611 : i32 to index
        %get3A_615 = arith.constant 48 : index
        %get3A_616 = tpu.vector_load %arg6[%get3A_613, %get3A_614, %get3A_615] {strides = array<i32>} : memref<4x200x64xf32, #tpu.memory_space<vmem>>, vector<1x1x16xf32>,
        %get3A_617 = vector.shape_cast %get3A_616 : vector<1x1x16xf32> to vector<16xf32>
        %add3A_618 = arith.addf %add3A_582, %get3A_617 : vector<16xf32>
        %add3A_619 = arith.constant 7 : i32
        %add3A_620 = arith.addi %mul3A_367, %add3A_619 : i32
        %get3A_621 = arith.constant 3 : i32
        %get3A_622 = arith.index_cast %get3A_621 : i32 to index
        %get3A_623 = arith.index_cast %add3A_620 : i32 to index
        %get3A_624 = arith.constant 0 : index
        %get3A_625 = tpu.vector_load %arg6[%get3A_622, %get3A_623, %get3A_624] {strides = array<i32>} : memref<4x200x64xf32, #tpu.memory_space<vmem>>, vector<1x1x16xf32>,
        %get3A_626 = vector.shape_cast %get3A_625 : vector<1x1x16xf32> to vector<16xf32>
        %add3A_627 = arith.addf %add3A_591, %get3A_626 : vector<16xf32>
        %add3A_628 = arith.constant 7 : i32
        %add3A_629 = arith.addi %mul3A_367, %add3A_628 : i32
        %get3A_630 = arith.constant 3 : i32
        %get3A_631 = arith.index_cast %get3A_630 : i32 to index
        %get3A_632 = arith.index_cast %add3A_629 : i32 to index
        %get3A_633 = arith.constant 16 : index
        %get3A_634 = tpu.vector_load %arg6[%get3A_631, %get3A_632, %get3A_633] {strides = array<i32>} : memref<4x200x64xf32, #tpu.memory_space<vmem>>, vector<1x1x16xf32>,
        %get3A_635 = vector.shape_cast %get3A_634 : vector<1x1x16xf32> to vector<16xf32>
        %add3A_636 = arith.addf %add3A_600, %get3A_635 : vector<16xf32>
        %add3A_637 = arith.constant 7 : i32
        %add3A_638 = arith.addi %mul3A_367, %add3A_637 : i32
        %get3A_639 = arith.constant 3 : i32
        %get3A_640 = arith.index_cast %get3A_639 : i32 to index
        %get3A_641 = arith.index_cast %add3A_638 : i32 to index
        %get3A_642 = arith.constant 32 : index
        %get3A_643 = tpu.vector_load %arg6[%get3A_640, %get3A_641, %get3A_642] {strides = array<i32>} : memref<4x200x64xf32, #tpu.memory_space<vmem>>, vector<1x1x16xf32>,
        %get3A_644 = vector.shape_cast %get3A_643 : vector<1x1x16xf32> to vector<16xf32>
        %add3A_645 = arith.addf %add3A_609, %get3A_644 : vector<16xf32>
        %add3A_646 = arith.constant 7 : i32
        %add3A_647 = arith.addi %mul3A_367, %add3A_646 : i32
        %get3A_648 = arith.constant 3 : i32
        %get3A_649 = arith.index_cast %get3A_648 : i32 to index
        %get3A_650 = arith.index_cast %add3A_647 : i32 to index
        %get3A_651 = arith.constant 48 : index
        %get3A_652 = tpu.vector_load %arg6[%get3A_649, %get3A_650, %get3A_651] {strides = array<i32>} : memref<4x200x64xf32, #tpu.memory_space<vmem>>, vector<1x1x16xf32>,
        %get3A_653 = vector.shape_cast %get3A_652 : vector<1x1x16xf32> to vector<16xf32>
        %add3A_654 = arith.addf %add3A_618, %get3A_653 : vector<16xf32>
        scf.yield %add3A_627, %add3A_636, %add3A_645, %add3A_654 : vector<16xf32>, vector<16xf32>, vector<16xf32>, vector<16xf32>
      }
      %scan3A_325 = arith.constant 25 : i32
      %mul3A_326 = vector.broadcast %scan3A_82 : f32 to vector<16xf32>
      %mul3A_327 = arith.mulf %scan3A_324#0, %mul3A_326 : vector<16xf32>
      %swap3A_328 = arith.index_cast %add3A_295 : i32 to index
      %swap3A_329 = arith.constant 0 : index
      %swap3A_330 = tpu.vector_load %arg7[%swap3A_328, %swap3A_329] {strides = array<i32>} : memref<128x64xf32, #tpu.memory_space<vmem>>, vector<1x16xf32>,
      %swap3A_331 = vector.shape_cast %swap3A_330 : vector<1x16xf32> to vector<16xf32>
      %swap3A_332 = vector.shape_cast %mul3A_327 : vector<16xf32> to vector<1x16xf32>
      tpu.vector_store %arg7[%swap3A_328, %swap3A_329], %swap3A_332 {strides = array<i32>} : memref<128x64xf32, #tpu.memory_space<vmem>>, vector<1x16xf32>,
      %mul3A_333 = vector.broadcast %scan3A_82 : f32 to vector<16xf32>
      %mul3A_334 = arith.mulf %scan3A_324#1, %mul3A_333 : vector<16xf32>
      %swap3A_335 = arith.index_cast %add3A_295 : i32 to index
      %swap3A_336 = arith.constant 16 : index
      %swap3A_337 = tpu.vector_load %arg7[%swap3A_335, %swap3A_336] {strides = array<i32>} : memref<128x64xf32, #tpu.memory_space<vmem>>, vector<1x16xf32>,
      %swap3A_338 = vector.shape_cast %swap3A_337 : vector<1x16xf32> to vector<16xf32>
      %swap3A_339 = vector.shape_cast %mul3A_334 : vector<16xf32> to vector<1x16xf32>
      tpu.vector_store %arg7[%swap3A_335, %swap3A_336], %swap3A_339 {strides = array<i32>} : memref<128x64xf32, #tpu.memory_space<vmem>>, vector<1x16xf32>,
      %mul3A_340 = vector.broadcast %scan3A_82 : f32 to vector<16xf32>
      %mul3A_341 = arith.mulf %scan3A_324#2, %mul3A_340 : vector<16xf32>
      %swap3A_342 = arith.index_cast %add3A_295 : i32 to index
      %swap3A_343 = arith.constant 32 : index
      %swap3A_344 = tpu.vector_load %arg7[%swap3A_342, %swap3A_343] {strides = array<i32>} : memref<128x64xf32, #tpu.memory_space<vmem>>, vector<1x16xf32>,
      %swap3A_345 = vector.shape_cast %swap3A_344 : vector<1x16xf32> to vector<16xf32>
      %swap3A_346 = vector.shape_cast %mul3A_341 : vector<16xf32> to vector<1x16xf32>
      tpu.vector_store %arg7[%swap3A_342, %swap3A_343], %swap3A_346 {strides = array<i32>} : memref<128x64xf32, #tpu.memory_space<vmem>>, vector<1x16xf32>,
      %mul3A_347 = vector.broadcast %scan3A_82 : f32 to vector<16xf32>
      %mul3A_348 = arith.mulf %scan3A_324#3, %mul3A_347 : vector<16xf32>
      %swap3A_349 = arith.index_cast %add3A_295 : i32 to index
      %swap3A_350 = arith.constant 48 : index
      %swap3A_351 = tpu.vector_load %arg7[%swap3A_349, %swap3A_350] {strides = array<i32>} : memref<128x64xf32, #tpu.memory_space<vmem>>, vector<1x16xf32>,
      %swap3A_352 = vector.shape_cast %swap3A_351 : vector<1x16xf32> to vector<16xf32>
      %swap3A_353 = vector.shape_cast %mul3A_348 : vector<16xf32> to vector<1x16xf32>
      tpu.vector_store %arg7[%swap3A_349, %swap3A_350], %swap3A_353 {strides = array<i32>} : memref<128x64xf32, #tpu.memory_space<vmem>>, vector<1x16xf32>,
      %add3A_354 = arith.constant 4 : i32
      %add3A_355 = arith.addi %add3A_295, %add3A_354 : i32
      %lt3A_356 = arith.constant 128 : i32
      %lt3A_357 = arith.cmpi slt, %add3A_355, %lt3A_356 : i32
      %convert_element_type3A_358 = arith.extui %lt3A_357 : i1 to i32
      %cond3A_359 = arith.constant 0 : i32
      %cond3A_360 = arith.cmpi ne, %convert_element_type3A_358, %cond3A_359 : i32
      scf.if %cond3A_360 {
        %add3A_361 = arith.constant 4 : i32
        %add3A_362 = arith.addi %add3A_295, %add3A_361 : i32
        %mul3A_363 = arith.constant 256 : i32
        %mul3A_364 = arith.muli %add3A_362, %mul3A_363 : i32
        %add3A_365 = arith.constant 104 : i32
        %add3A_366 = arith.addi %mul3A_364, %add3A_365 : i32
        %dma_start3A_367 = arith.constant 3 : i32
        %dma_start3A_368 = arith.constant 0 : i32
        %dma_start3A_369 = arith.constant 0 : i32
        %dma_start3A_370 = tpu.memref_slice %arg6[%dma_start3A_367, %dma_start3A_368, %dma_start3A_369] : memref<4x200x64xf32, #tpu.memory_space<vmem>> -> memref<1x104x64xf32, #tpu.memory_space<vmem>>
        %dma_start3A_371 = tpu.memref_squeeze %dma_start3A_370 : memref<1x104x64xf32, #tpu.memory_space<vmem>> -> memref<104x64xf32, #tpu.memory_space<vmem>>
        %dma_start3A_372 = tpu.memref_slice %arg5[%mul3A_364] : memref<32768xi32, #tpu.memory_space<vmem>> -> memref<104xi32, #tpu.memory_space<vmem>>
        %dma_start3A_373 = arith.constant 0 : i32
        %dma_start3A_374 = arith.constant 0 : i32
        %dma_start3A_375 = tpu.memref_slice %arg3[%dma_start3A_373, %dma_start3A_374] : memref<100000x64xf32, #tpu.memory_space<hbm>> -> memref<100000x64xf32, #tpu.memory_space<hbm>>
        tpu.enqueue_indirect_dma source(%dma_start3A_375 : memref<100000x64xf32, #tpu.memory_space<hbm>>) target(%dma_start3A_371 : memref<104x64xf32, #tpu.memory_space<vmem>>) offsets(%dma_start3A_372 : memref<104xi32, #tpu.memory_space<vmem>>) semaphore(%arg8 : memref<!tpu.dma_semaphore, #tpu.memory_space<semaphore_mem>>)
        %dma_start3A_376 = arith.constant 3 : i32
        %dma_start3A_377 = arith.constant 104 : i32
        %dma_start3A_378 = arith.constant 0 : i32
        %dma_start3A_379 = tpu.memref_slice %arg6[%dma_start3A_376, %dma_start3A_377, %dma_start3A_378] : memref<4x200x64xf32, #tpu.memory_space<vmem>> -> memref<1x96x64xf32, #tpu.memory_space<vmem>>
        %dma_start3A_380 = tpu.memref_squeeze %dma_start3A_379 : memref<1x96x64xf32, #tpu.memory_space<vmem>> -> memref<96x64xf32, #tpu.memory_space<vmem>>
        %dma_start3A_381 = tpu.memref_slice %arg5[%add3A_366] : memref<32768xi32, #tpu.memory_space<vmem>> -> memref<96xi32, #tpu.memory_space<vmem>>
        %dma_start3A_382 = arith.constant 0 : i32
        %dma_start3A_383 = arith.constant 0 : i32
        %dma_start3A_384 = tpu.memref_slice %arg3[%dma_start3A_382, %dma_start3A_383] : memref<100000x64xf32, #tpu.memory_space<hbm>> -> memref<100000x64xf32, #tpu.memory_space<hbm>>
        tpu.enqueue_indirect_dma source(%dma_start3A_384 : memref<100000x64xf32, #tpu.memory_space<hbm>>) target(%dma_start3A_380 : memref<96x64xf32, #tpu.memory_space<vmem>>) offsets(%dma_start3A_381 : memref<96xi32, #tpu.memory_space<vmem>>) semaphore(%arg8 : memref<!tpu.dma_semaphore, #tpu.memory_space<semaphore_mem>>)
      } else {
      }
    }
    %scan3A_87 = arith.constant 32 : i32
    %mul3A_88 = arith.constant 128 : i32
    %mul3A_89 = arith.muli %add3A, %mul3A_88 : i32
    "tpu.region"() ({
      %run_scoped3A = tpu.sem_alloc : memref<!tpu.dma_semaphore, #tpu.memory_space<semaphore_mem>>
      %dma_start3A_90 = arith.constant 0 : i32
      %dma_start3A_91 = tpu.memref_slice %arg4[%mul3A_89, %dma_start3A_90] : memref<4096x64xf32, #tpu.memory_space<hbm>> -> memref<128x64xf32, #tpu.memory_space<hbm>>
      %dma_start3A_92 = arith.constant 0 : i32
      %dma_start3A_93 = tpu.memref_slice %arg4[%mul3A_89, %dma_start3A_92] : memref<4096x64xf32, #tpu.memory_space<hbm>> -> memref<128x64xf32, #tpu.memory_space<hbm>>
      tpu.enqueue_dma source(%arg7 : memref<128x64xf32, #tpu.memory_space<vmem>>) target(%dma_start3A_93 : memref<128x64xf32, #tpu.memory_space<hbm>>) target_semaphore(%run_scoped3A : memref<!tpu.dma_semaphore, #tpu.memory_space<semaphore_mem>>)
      %dma_wait3A = arith.constant 0 : i32
      %dma_wait3A_94 = tpu.memref_slice %arg4[%mul3A_89, %dma_wait3A] : memref<4096x64xf32, #tpu.memory_space<hbm>> -> memref<128x64xf32, #tpu.memory_space<hbm>>
      %dma_wait3A_95 = arith.constant 0 : i32
      %dma_wait3A_96 = tpu.memref_slice %arg4[%mul3A_89, %dma_wait3A_95] : memref<4096x64xf32, #tpu.memory_space<hbm>> -> memref<128x64xf32, #tpu.memory_space<hbm>>
      tpu.wait_dma2 semaphore(%run_scoped3A : memref<!tpu.dma_semaphore, #tpu.memory_space<semaphore_mem>>) src(%arg7 : memref<128x64xf32, #tpu.memory_space<vmem>>) dst(%dma_wait3A_96 : memref<128x64xf32, #tpu.memory_space<hbm>>)
      tpu.yield
    }) : () -> ()
    return
  }
}

</mosaic_0001>

<sc_bundles>
// kernel: _sc_mean_pool.3.cloned.1.call-start
scs
__scs_entry_jumppad:
0x0: {  	(pc) =	sbr.rel $0x88, $3  }
0x1: {  	(tag) =	ssettag $0x0;
	lr =	simm.s32 $0x1  }
0x2: {  	[smem:$0x3F9F] =	sst lr;
	_ =	strace $0xD0000000  }
0x3: {  	_ = 	snop  }
0x4: {  	_ = 	snop  }
0x5: {  	_ = 	snop  }
0x6: {  	_ = 	snop  }
0x7: {  	_ = 	snop  }
__scs_overlays_trampoline_lowered:
0x8: {  	[smem:$0x3FAE] =	sst s0  }
0x9: {  	[smem:$0x3FAF] =	sst s1  }
0xa: {  	[smem:$0x3FB0] =	sst s2  }
0xb: {  	[smem:$0x3FB1] =	sst s3  }
0xc: {  	[smem:$0x3FB2] =	sst s4  }
0xd: {  	[smem:$0x3FB3] =	sst s5  }
0xe: {  	[smem:$0x3FB4] =	sst s6  }
0xf: {  	[smem:$0x3FB5] =	sst s7  }
0x10: {  	[smem:$0x3FB6] =	sst s8  }
0x11: {  	[smem:$0x3FB7] =	sst s9;
	s0 =	simm.s32 @!p0 $0x0  }
0x12: {  	s1 =	sld [smem:$0x3F9D];
	s0 =	simm.s32 @p0 $0x1  }
0x13: {  	[smem:$0x3FB8] =	sst s0;
	s0 =	simm.s32 @!p1 $0x0  }
0x14: {  	s2 =	sld [smem:$0x3F9C];
	s0 =	simm.s32 @p1 $0x1  }
0x15: {  	[smem:$0x3FB9] =	sst s0;
	s0 =	simm.s32 @!p2 $0x0  }
0x16: {  	s3 =	sld [smem:$0x3FDB];
	s0 =	simm.s32 @p2 $0x1  }
0x17: {  	s4 =	simm.s32 $0x1BF5;
	[smem:$0x3FBB] =	sst s0  }
0x18: {  	s0 =	sld [smem:$0x3F9E];
	_ =	swait.ge [sflag:s4], $0x0  }
0x19: {  	s7 =	sld [smem:$0x3F9F]  }
0x1a: {  	s8 =	sadd.s32 $0xFFFFE003, lr  }
0x1b: {  	s9 =	sadd.s32 $0xFFFFFEF7, lr;
	s5 =	simm.s32 $0xFFFFFFFF;
	p2 =	slt.u32 s8, $0xFFFFF086  }
0x1c: {  	p1 =	slt.u32 s9, $0xF7A;
	s5 =	simm.s32 @!p2 $0x0  }
0x1d: {  	s5 =	simm.s32 @p1 $0x1;
	p0 =	seq.s32 s7, s2  }
0x1e: {  	s7 =	smul.u32 @!p0 $0xF7A, s2;
	p2 =	seq.s32 @!p0 s5, $0x0  }
0x1f: {  	s9 =	smul.u32 $0xF7A, s1;
	s8 =	simm.s32 @!p0 $0x1BF5;
	p2 =	por !p2, p0  }
0x20: {  	[sflag:s8] =	ssyncset.s32 @!p0 $0xFFFFF086;
	s6 =	sadd.s32 @!p0 s3, s7;
	s7 =	simm.s32 @!p0 $0x108  }
0x21: {  	s3 =	sadd.s32 s3, s9;
	s6 =	sadd.s32 @!p0 $0x88, s6;
	s7 =	simm.s32 @p2 $0x1082  }
0x22: {  	[simem:s7], [sflag:s8] =	dma.local @!p0 [hbm:s6], $0xF7A  }
0x23: {  	s9 =	sor.u32 $0xD0000000, s2;
	s6 =	simm.s32 $0x108;
	_ =	swait.ge @!p0 [sflag:s8], $0x0  }
0x24: {  	s3 =	sadd.s32 $0x88, s3;
	s6 =	simm.s32 @!p1 $0x1082;
	[sflag:s4] =	ssyncset.s32 $0xFFFFF086  }
0x25: {  	[simem:s6], [sflag:s4] =	dma.local [hbm:s3], $0xF7A  }
0x26: {  	[smem:$0x3F9F] =	sst s1;
	(tag) =	ssettag s2;
	_ =	strace s9  }
0x27: {  	s1 =	sld [smem:$0x3FAF]  }
0x28: {  	s2 =	sld [smem:$0x3FB0]  }
0x29: {  	s4 =	sld [smem:$0x3FB2]  }
0x2a: {  	p0 =	seq.s32 s5, $0x0;
	s5 =	sld [smem:$0x3FB3]  }
0x2b: {  	s6 =	sld [smem:$0x3FB4]  }
0x2c: {  	s7 =	sld [smem:$0x3FB5]  }
0x2d: {  	s3 =	simm.s32 $0x108;
	s8 =	sld [smem:$0x3FB6]  }
0x2e: {  	s3 =	simm.s32 @!p0 $0x1082;
	s9 =	sld [smem:$0x3FB7]  }
0x2f: {  	lr =	sadd.s32 s0, s3;
	s0 =	sld [smem:$0x3FAE]  }
0x30: {  	s3 =	sld [smem:$0x3FB1]  }
0x31: {  	[smem:$0x3FBA] =	sst s10  }
0x32: {  	s10 =	sld [smem:$0x3FB8];
	_ =	sdelay $0x3  }
0x33: {  	p0 =	seq.s32 s10, $0x1;
	s10 =	sld [smem:$0x3FBA];
	_ =	sdelay $0x3  }
0x34: {  	[smem:$0x3FBA] =	sst s10  }
0x35: {  	s10 =	sld [smem:$0x3FB9];
	_ =	sdelay $0x3  }
0x36: {  	p1 =	seq.s32 s10, $0x1;
	s10 =	sld [smem:$0x3FBA];
	_ =	sdelay $0x3  }
0x37: {  	[smem:$0x3FBA] =	sst s10  }
0x38: {  	s10 =	sld [smem:$0x3FBB]  }
0x39: {  	_ = 	snop;
	(pc) =	sbr.ind lr, $3  }
0x3a: {  	_ = 	snop  }
0x3b: {  	_ = 	snop  }
0x3c: {  	p2 =	seq.s32 s10, $0x1;
	s10 =	sld [smem:$0x3FBA]  }
0x3d: {  	_ =	shalt  }
0x3e: {  	_ =	shalt  }
0x3f: {  	_ =	shalt  }
0x40: {  	_ =	shalt  }
0x41: {  	_ =	shalt  }
0x42: {  	_ =	shalt  }
0x43: {  	_ =	shalt  }
0x44: {  	_ =	shalt  }
0x45: {  	_ =	shalt  }
0x46: {  	_ =	shalt  }
0x47: {  	_ =	shalt  }
0x48: {  	_ =	shalt  }
0x49: {  	_ =	shalt  }
0x4a: {  	_ =	shalt  }
0x4b: {  	_ =	shalt  }
0x4c: {  	_ =	shalt  }
0x4d: {  	_ =	shalt  }
0x4e: {  	_ =	shalt  }
0x4f: {  	_ =	shalt  }
0x50: {  	_ =	shalt  }
0x51: {  	_ =	shalt  }
0x52: {  	_ =	shalt  }
0x53: {  	_ =	shalt  }
0x54: {  	_ =	shalt  }
0x55: {  	_ =	shalt  }
0x56: {  	_ =	shalt  }
0x57: {  	_ =	shalt  }
0x58: {  	_ =	shalt  }
0x59: {  	_ =	shalt  }
0x5a: {  	_ =	shalt  }
0x5b: {  	_ =	shalt  }
0x5c: {  	_ =	shalt  }
0x5d: {  	_ =	shalt  }
0x5e: {  	_ =	shalt  }
0x5f: {  	_ =	shalt  }
0x60: {  	_ =	shalt  }
0x61: {  	_ =	shalt  }
0x62: {  	_ =	shalt  }
0x63: {  	_ =	shalt  }
0x64: {  	_ =	shalt  }
0x65: {  	_ =	shalt  }
0x66: {  	_ =	shalt  }
0x67: {  	_ =	shalt  }
0x68: {  	_ =	shalt  }
0x69: {  	_ =	shalt  }
0x6a: {  	_ =	shalt  }
0x6b: {  	_ =	shalt  }
0x6c: {  	_ =	shalt  }
0x6d: {  	_ =	shalt  }
0x6e: {  	_ =	shalt  }
0x6f: {  	_ =	shalt  }
0x70: {  	_ =	shalt  }
0x71: {  	_ =	shalt  }
0x72: {  	_ =	shalt  }
0x73: {  	_ =	shalt  }
0x74: {  	_ =	shalt  }
0x75: {  	_ =	shalt  }
0x76: {  	_ =	shalt  }
0x77: {  	_ =	shalt  }
0x78: {  	_ =	shalt  }
0x79: {  	_ =	shalt  }
0x7a: {  	_ =	shalt  }
0x7b: {  	_ =	shalt  }
0x7c: {  	_ =	shalt  }
0x7d: {  	_ =	shalt  }
0x7e: {  	_ =	shalt  }
0x7f: {  	_ =	shalt  }
0x80: {  	_ =	shalt  }
0x81: {  	_ =	shalt  }
0x82: {  	_ =	shalt  }
0x83: {  	_ =	shalt  }
0x84: {  	_ =	shalt  }
0x85: {  	_ =	shalt  }
0x86: {  	_ =	shalt  }
0x87: {  	_ =	shalt  }
.Lfunc_end0:
.L_simem_size_0:
called_computation_lowered:
.L_overlay_start_0:
0x88: {  	s2 =	sld [smem:$0x3FD9]  }
0x89: {  	s3 =	sld [smem:$0x3FFE];
	_ =	sdelay $0x1  }
0x8a: {  	s1 =	srdreg.scid  }
0x8b: {  	s0 =	sand.u32 $0x1, s1  }
0x8c: {  	s17 =	sshll.u32 s0, $0xA;
	s2 =	sadd.s32 s3, s2  }
0x8d: {  	s2 =	sadd.s32 s2, s17  }
0x8e: {  	[smem:$0x3FC6] =	sst s2  }
0x8f: {  	_ = 	snop  }
0x90: {  	s2 =	sld [smem:$0x3FC9]  }
0x91: {  	s18 =	sld [smem:$0x3FD0];
	(tm) =	ssettm $0x1  }
0x92: {  	s4 =	sld [smem:$0x3FFB];
	_ =	sdelay $0x3  }
0x93: {  	_ =	strace s4  }
0x94: {  	s4 =	sld [smem:$0x3FFC];
	_ =	sdelay $0x3  }
0x95: {  	_ =	strace s4  }
0x96: {  	s4 =	sld [smem:$0x3FFD];
	_ =	sdelay $0x3  }
0x97: {  	_ =	strace s4  }
0x98: {  	_ =	strace $0x8FFFFFFF  }
0x99: {  	s19 =	sld [smem:$0x3FDB];
	_ =	sdelay $0x1  }
0x9a: {  	s5 =	simm.s32 $_scs_section_size  }
0x9b: {  	s6 =	simm.s32 $_size__tile_overlayer_lowered;
	s7 =	simm.s32 $_tile_overlayer_lowered  }
0x9c: {  	s22 =	simm.s32 $0x1BFF;
	s21 =	sshll.u32 s7, $0x1;
	s4 =	sadd.s32 s5, s19  }
0x9d: {  	s8 =	simm.s32 $0x0;
	s20 =	sshll.u32 s6, $0x1;
	s6 =	sadd.s32 s21, s4  }
0x9e: {  	[timem:s8], [sflag:s22] =	dma.local [hbm:s6], s20  }
0x9f: {  	_ =	swait.ge [sflag:s22], s20  }
0xa0: {  	s5 =	ssub.s32 $0x0, s20;
	[sflag:s22] =	ssyncset.done $0x0  }
0xa1: {  	[sflag:s22] =	ssyncadd.s32 s5;
	_ =	sdelay $0x1  }
0xa2: {  	s23 =	simm.s32 $0x1B8B  }
0xa3: {  	_ =	swait.ge [sflag:s23], $0x1  }
0xa4: {  	[sflag:s23] =	ssyncset.done $0x0  }
0xa5: {  	s25 =	simm.s32 $0x1B8E;
	s24 =	sld [smem:$0x3FFE];
	[sflag:s23] =	ssyncadd.s32 $0xFFFFFFFF  }
0xa6: {  	s26 =	simm.s32 $execute0_lowered;
	[smem:$0x3FD2] =	sst s25  }
0xa7: {  	s6 =	sshll.u32 s26, $0x1;
	_ =	strace $0x80000046;
	[dreg:$0x1] =	wrdreg $0xFFFFFFFF  }
0xa8: {  	s28 =	simm.s32 $_size_execute0_lowered;
	s4 =	sadd.s32 s4, s6;
	[dreg:$0x0] =	wrdreg $0x0  }
0xa9: {  	s6 =	sshll.u32 s28, $0x1;
	[dreg:$0x2] =	wrdreg s4  }
0xaa: {  	[dreg:$0x3] =	wrdreg s6  }
0xab: {  	[dreg:$0x4] =	wrdreg $0xC0  }
0xac: {  	_ =	task [dreg:s8], $0x5FFFF  }
0xad: {  	[dreg:$0x1] =	wrdreg $0xFFFFFFFF  }
0xae: {  	[dreg:$0x0] =	wrdreg $0x60  }
0xaf: {  	[dreg:$0x2] =	wrdreg s2  }
0xb0: {  	[dreg:$0x3] =	wrdreg s24  }
0xb1: {  	[dreg:$0x4] =	wrdreg s18  }
0xb2: {  	[dreg:$0x5] =	wrdreg $0x9  }
0xb3: {  	_ =	task.clear_ibuf [dreg:s8], $0x6FFFF;
	_ =	strace $0x90000046  }
0xb4: {  	s29 =	simm.s32 $0x9;
	_ =	strace $0x80000048  }
0xb5: {  	_ =	swait.ge [sflag:s29], $0x1  }
0xb6: {  	[sflag:s29] =	ssyncadd.s32 $0xFFFFFFFF  }
0xb7: {  	_ =	strace $0x90000048  }
0xb8: {  	_ =	sfence  }
0xb9: {  	s30 =	sld [smem:$0x0];
	_ =	sdelay $0x2  }
0xba: {  	s31 =	sshll.u32 s1, $0xD;
	s1 =	sshrl.u32 s1, $0x2  }
0xbb: {  	s3 =	sand.u32 $0x4000, s31;
	s1 =	sadd.s32 s1, s30  }
0xbc: {  	s0 =	sor.u32 s3, s0;
	s1 =	sshll.u32 s1, $0x11  }
0xbd: {  	s0 =	sor.u32 s1, s0  }
0xbe: {  	s0 =	sadd.s32 $0x8F2B, s0  }
0xbf: {  	[sflag:s0] =	ssyncadd.remote.s32 $0x1  }
0xc0: {  	_ =	sfence.sel $0xFFFF  }
0xc1: {  	[dreg:$0x0] =	wrdreg $0xFFFFFFFF;
	(pc) =	sbr.abs _section_cstart, $3  }
0xc2: {  	[dreg:$0x1] =	wrdreg $0xFFFFFFFF  }
0xc3: {  	_ =	task.clear_ibuf [dreg:s8], $0x2FFFF;
	_ =	strace $0x9FFFFFFF  }
0xc4: {  	(tm) =	ssettm $0x7FFFFFFF  }
0xc5: {  	_ =	shalt  }
tec
execute0_lowered:
.L_overlay_start_1:
0x0: {  	(tag) =	ssettag $0x1  }
0x1: {  	s0 =	rddreg [dreg:$0x0]  }
0x2: {  	s3 =	rddreg [dreg:$0x1]  }
0x3: {  	s5 =	rddreg [dreg:$0x2];
	s2 =	simm.s32 $0x0;
	s4 =	srdreg.scid  }
0x4: {  	s1 =	stileid.u32;
	s10 =	simm.s32 $0x60;
	s11 =	simm.s32 $0x9A00  }
0x5: {  	s12 =	simm.s32 $0x100;
	s13 =	simm.s32 $0xB200;
	s14 =	simm.s32 $0x168  }
0x6: {  	s15 =	simm.s32 $0xCC00;
	s16 =	simm.s32 $0x200;
	s17 =	simm.s32 $0xE400  }
0x7: {  	s18 =	simm.s32 $0x268;
	s19 =	simm.s32 $0xFE00;
	s20 =	simm.s32 $0x300  }
0x8: {  	s21 =	simm.s32 $0x11600;
	s22 =	simm.s32 $0x368;
	s23 =	simm.s32 $0x13000  }
0x9: {  	s24 =	simm.s32 $0x1;
	s25 =	simm.s32 $0x14800;
	s26 =	simm.s32 $0x0  }
0xa: {  	[smem:$0x7FF] =	sst s2;
	s4 =	sand.u32 $0x1, s4;
	s6 =	sshll.u32 s1, $0x1  }
.Ltmp0:
0xb: {  	s3 =	sadd.s32 $0x186E00, s3;
	s7 =	ssub.s32 $0x2, s4;
	(pc) =	sbr.rel .LBB2_1-.Ltmp0, $4  }
0xc: {  	_ =	strace $0x80000047;
	s4 =	sor.u32 s4, s6;
	s31 =	sshrl.u32 s7, $0x1  }
0xd: {  	s8 =	sshll.u32 s4, $0xC;
	s9 =	sshll.u32 s4, $0xA;
	s6 =	ssub.s32 s7, s31  }
0xe: {  	s4 =	sadd.s32 s0, s8;
	s5 =	sadd.s32 s5, s9;
	s7 =	simm.s32 $0x2  }
0xf: {  	s8 =	simm.s32 $0x68;
	s9 =	simm.s32 $0x8000;
	s6 =	smax.u32 s6, $0x1  }
.LBB2_12:
0x10: {  	s26 =	sadd.s32 $0x1, s26  }
0x11: {  	p0 =	sne.s32 s26, s6  }
.Ltmp1:
0x12: {  	_ = 	snop;
	(pc) =	sbr.rel @!p0 .LBB2_13-.Ltmp1, $4  }
0x13: {  	[hbm4b:s5+s2] =	stream.linear.scatter [tilespmem:s25], [sflag:$0x2], $0x2000, $0x38;
	[tilespmem:$0x16800] =	vst v63  }
0x14: {  	_ =	swait.ge [sflag:s7], $0x2000  }
0x15: {  	[sflag:s7] =	ssyncset.done $0x0  }
0x16: {  	[sflag:s7] =	ssyncadd.s32 $0xFFFFE000  }
.LBB2_1:
0x17: {  	[tilespmem:s2], [sflag:$0x2] =	stream.linear.gather [hbm4b:s4+s2], $0x8000, $0x38;
	[tilespmem:$0x16800] =	vst v63  }
0x18: {  	_ =	swait.ge [sflag:s7], $0x8000  }
0x19: {  	[sflag:s7] =	ssyncset.done $0x0  }
0x1a: {  	[sflag:s7] =	ssyncadd.s32 $0xFFFF8000  }
0x1b: {  	[tilespmem:s9], [sflag:$0x1] =	stream.indirect.gather [hbm4b:s3+s8], $0x40, s2, s8, $0xb8;
	[tilespmem:$0x16800] =	vst v63  }
0x1c: {  	_ = 	snop  }
0x1d: {  	[tilespmem:s11], [sflag:$0x1] =	stream.indirect.gather [hbm4b:s3+s10], $0x40, s8, s10, $0xb8;
	[tilespmem:$0x16800] =	vst v63  }
0x1e: {  	_ = 	snop  }
0x1f: {  	[tilespmem:s13], [sflag:$0x1] =	stream.indirect.gather [hbm4b:s3+s8], $0x40, s12, s8, $0xb8;
	[tilespmem:$0x16800] =	vst v63  }
0x20: {  	_ = 	snop  }
0x21: {  	[tilespmem:s15], [sflag:$0x1] =	stream.indirect.gather [hbm4b:s3+s10], $0x40, s14, s10, $0xb8;
	[tilespmem:$0x16800] =	vst v63  }
0x22: {  	_ = 	snop  }
0x23: {  	[tilespmem:s17], [sflag:$0x1] =	stream.indirect.gather [hbm4b:s3+s8], $0x40, s16, s8, $0xb8;
	[tilespmem:$0x16800] =	vst v63  }
0x24: {  	_ = 	snop  }
0x25: {  	[tilespmem:s19], [sflag:$0x1] =	stream.indirect.gather [hbm4b:s3+s10], $0x40, s18, s10, $0xb8;
	[tilespmem:$0x16800] =	vst v63  }
0x26: {  	_ = 	snop  }
0x27: {  	[tilespmem:s21], [sflag:$0x1] =	stream.indirect.gather [hbm4b:s3+s8], $0x40, s20, s8, $0xb8;
	[tilespmem:$0x16800] =	vst v63  }
0x28: {  	s28 =	simm.s32 $0x0  }
0x29: {  	[tilespmem:s23], [sflag:$0x1] =	stream.indirect.gather [hbm4b:s3+s10], $0x40, s22, s10, $0xb8;
	[tilespmem:$0x16800] =	vst v63  }
.LBB2_2:
0x2a: {  	_ =	swait.ge [sflag:s24], $0x1A00  }
0x2b: {  	[sflag:s24] =	ssyncset.done $0x0  }
0x2c: {  	[sflag:s24] =	ssyncadd.s32 $0xFFFFE600  }
0x2d: {  	_ =	swait.ge [sflag:s24], $0x1800  }
0x2e: {  	[sflag:s24] =	ssyncset.done $0x0  }
0x2f: {  	s29 =	simm.s32 $0x0;
	[sflag:s24] =	ssyncadd.s32 $0xFFFFE800  }
0x30: {  	v0 =	vld [tilespmem:s29+$0x81C0]  }
0x31: {  	v1 =	vld [tilespmem:s29+$0x81D0]  }
0x32: {  	v2 =	vld [tilespmem:s29+$0x8180]  }
0x33: {  	v3 =	vld [tilespmem:s29+$0x8190]  }
0x34: {  	v4 =	vld [tilespmem:s29+$0x8140]  }
0x35: {  	v5 =	vld [tilespmem:s29+$0x8150]  }
0x36: {  	v6 =	vld [tilespmem:s29+$0x8100]  }
0x37: {  	v7 =	vld [tilespmem:s29+$0x8110]  }
0x38: {  	v9 =	vld [tilespmem:s29+$0x80C0]  }
0x39: {  	v8 =	vld [tilespmem:s29+$0x80D0]  }
0x3a: {  	v11 =	vld [tilespmem:s29+$0x8080]  }
0x3b: {  	v10 =	vld [tilespmem:s29+$0x8090]  }
0x3c: {  	v17 =	vld [tilespmem:s29+$0x8040]  }
0x3d: {  	v16 =	vld [tilespmem:s29+$0x8050]  }
0x3e: {  	v19 =	vld [tilespmem:s29+$0x8000]  }
0x3f: {  	v12 =	vimm.f32 $0.0e+00;
	v20 =	vld [tilespmem:s29+$0x8010]  }
0x40: {  	s30 =	simm.s32 $0x800;
	v15 =	vimm.f32 $0.0e+00;
	v14 =	vimm.f32 $0.0e+00;
	v13 =	vimm.f32 $0.0e+00;
	v18 =	vld [tilespmem:s29+$0x8020]  }
.LBB2_3:
0x41: {  	p0 =	sne.s32 s30, $0xC000;
	v21 =	vld [tilespmem:s29+$0x8030]  }
0x42: {  	v22 =	vld [tilespmem:s29+$0x8060]  }
0x43: {  	v23 =	vld [tilespmem:s29+$0x8070]  }
0x44: {  	v24 =	vld [tilespmem:s29+$0x80A0]  }
0x45: {  	v12 =	vadd.f32 v19, v12;
	v15 =	vadd.f32 v20, v15;
	v19 =	vld [tilespmem:s29+$0x80B0]  }
0x46: {  	v14 =	vadd.f32 v18, v14;
	v13 =	vadd.f32 v21, v13;
	v18 =	vld [tilespmem:s29+$0x80E0]  }
0x47: {  	v12 =	vadd.f32 v17, v12;
	v15 =	vadd.f32 v16, v15;
	v16 =	vld [tilespmem:s29+$0x80F0]  }
0x48: {  	v14 =	vadd.f32 v22, v14;
	v13 =	vadd.f32 v23, v13;
	v17 =	vld [tilespmem:s29+$0x8120]  }
0x49: {  	v11 =	vadd.f32 v11, v12;
	v10 =	vadd.f32 v10, v15;
	v12 =	vld [tilespmem:s29+$0x8130]  }
0x4a: {  	v14 =	vadd.f32 v24, v14;
	v13 =	vadd.f32 v19, v13;
	v15 =	vld [tilespmem:s29+$0x8160]  }
0x4b: {  	v9 =	vadd.f32 v9, v11;
	v8 =	vadd.f32 v8, v10;
	v10 =	vld [tilespmem:s29+$0x8170]  }
0x4c: {  	v11 =	vadd.f32 v18, v14;
	v13 =	vadd.f32 v16, v13;
	v14 =	vld [tilespmem:s29+$0x81A0]  }
0x4d: {  	v6 =	vadd.f32 v6, v9;
	v7 =	vadd.f32 v7, v8;
	v8 =	vld [tilespmem:s29+$0x81B0]  }
0x4e: {  	v9 =	vadd.f32 v17, v11;
	v11 =	vadd.f32 v12, v13;
	v13 =	vld [tilespmem:s29+$0x81E0]  }
0x4f: {  	v4 =	vadd.f32 v4, v6;
	v5 =	vadd.f32 v5, v7;
	v6 =	vld [tilespmem:s29+$0x81F0];
	s29 =	sshra.s32 s30, $0x2  }
0x50: {  	v9 =	vadd.f32 v15, v9;
	v7 =	vld [tilespmem:s29+$0x81C0];
	v10 =	vadd.f32 v10, v11  }
0x51: {  	v4 =	vadd.f32 v2, v4;
	v5 =	vadd.f32 v3, v5;
	v11 =	vld [tilespmem:s29+$0x81D0]  }
0x52: {  	v9 =	vadd.f32 v14, v9;
	v2 =	vld [tilespmem:s29+$0x8180];
	v8 =	vadd.f32 v8, v10  }
0x53: {  	v12 =	vadd.f32 v0, v4;
	v15 =	vadd.f32 v1, v5;
	v3 =	vld [tilespmem:s29+$0x8190]  }
0x54: {  	v14 =	vadd.f32 v13, v9;
	v4 =	vld [tilespmem:s29+$0x8140];
	v13 =	vadd.f32 v6, v8  }
0x55: {  	v5 =	vld [tilespmem:s29+$0x8150];
	v0 =	vmov v7  }
0x56: {  	v6 =	vld [tilespmem:s29+$0x8100];
	v1 =	vmov v11  }
0x57: {  	v7 =	vld [tilespmem:s29+$0x8110]  }
0x58: {  	v9 =	vld [tilespmem:s29+$0x80C0]  }
0x59: {  	v8 =	vld [tilespmem:s29+$0x80D0]  }
0x5a: {  	v11 =	vld [tilespmem:s29+$0x8080]  }
0x5b: {  	v10 =	vld [tilespmem:s29+$0x8090]  }
.Ltmp2:
0x5c: {  	v17 =	vld [tilespmem:s29+$0x8040];
	(pc) =	sbr.rel @p0 .LBB2_3-.Ltmp2, $4  }
0x5d: {  	v16 =	vld [tilespmem:s29+$0x8050]  }
0x5e: {  	v19 =	vld [tilespmem:s29+$0x8000]  }
0x5f: {  	v20 =	vld [tilespmem:s29+$0x8010]  }
0x60: {  	s30 =	sadd.s32 $0x800, s30;
	v18 =	vld [tilespmem:s29+$0x8020]  }
0x61: {  	v21 =	vld [tilespmem:s29+$0x8030]  }
0x62: {  	v22 =	vld [tilespmem:s29+$0x8060]  }
0x63: {  	v23 =	vld [tilespmem:s29+$0x8070];
	v12 =	vadd.f32 v19, v12  }
0x64: {  	v19 =	vld [tilespmem:s29+$0x80A0];
	v15 =	vadd.f32 v20, v15  }
0x65: {  	v20 =	vld [tilespmem:s29+$0x80B0];
	v14 =	vadd.f32 v18, v14;
	v12 =	vadd.f32 v17, v12  }
0x66: {  	v17 =	vld [tilespmem:s29+$0x80E0];
	v13 =	vadd.f32 v21, v13;
	v15 =	vadd.f32 v16, v15  }
0x67: {  	v16 =	vld [tilespmem:s29+$0x80F0];
	v14 =	vadd.f32 v22, v14;
	v11 =	vadd.f32 v11, v12  }
0x68: {  	v12 =	vadd.f32 v23, v13;
	v13 =	vld [tilespmem:s29+$0x8120];
	v10 =	vadd.f32 v10, v15  }
0x69: {  	v15 =	vld [tilespmem:s29+$0x8130];
	v14 =	vadd.f32 v19, v14;
	v9 =	vadd.f32 v9, v11  }
0x6a: {  	v11 =	vadd.f32 v20, v12;
	v12 =	vld [tilespmem:s29+$0x8160];
	v8 =	vadd.f32 v8, v10  }
0x6b: {  	v10 =	vld [tilespmem:s29+$0x8170];
	v14 =	vadd.f32 v17, v14;
	v6 =	vadd.f32 v6, v9  }
0x6c: {  	v9 =	vadd.f32 v16, v11;
	v11 =	vld [tilespmem:s29+$0x81A0];
	v7 =	vadd.f32 v7, v8  }
0x6d: {  	v8 =	vld [tilespmem:s29+$0x81B0];
	v13 =	vadd.f32 v13, v14;
	v4 =	vadd.f32 v4, v6  }
0x6e: {  	v6 =	vadd.f32 v15, v9;
	v9 =	vld [tilespmem:s29+$0x81E0];
	v5 =	vadd.f32 v5, v7  }
0x6f: {  	v7 =	vld [tilespmem:s29+$0x81F0];
	v12 =	vadd.f32 v12, v13;
	v2 =	vadd.f32 v2, v4  }
0x70: {  	v4 =	vadd.f32 v10, v6;
	v3 =	vadd.f32 v3, v5  }
0x71: {  	v5 =	vadd.f32 v11, v12;
	v0 =	vadd.f32 v0, v2  }
0x72: {  	v2 =	vadd.f32 v8, v4;
	v1 =	vadd.f32 v1, v3  }
0x73: {  	s29 =	sshll.u32 s28, $0xA;
	v3 =	vadd.f32 v9, v5;
	v0 =	vmul.f32 $4.999999890e-03, v0  }
0x74: {  	s30 =	sshrl.u32 s29, $0x2;
	v2 =	vadd.f32 v7, v2;
	v1 =	vmul.f32 $4.999999890e-03, v1  }
0x75: {  	[tilespmem:s30+$0x14800] =	vst v0;
	v0 =	vmul.f32 $4.999999890e-03, v3  }
0x76: {  	[tilespmem:s30+$0x14810] =	vst v1;
	v1 =	vmul.f32 $4.999999890e-03, v2  }
0x77: {  	p0 =	seq.s32 s28, $0x1F;
	[tilespmem:s30+$0x14820] =	vst v0  }
0x78: {  	s31 =	simm.s32 @!p0 $0x68;
	s1 =	simm.s32 @!p0 $0x8000;
	s0 =	sadd.s32 @!p0 $0x400, s29;
	[tilespmem:s30+$0x14830] =	vst v1  }
0x79: {  	[tilespmem:s1], [sflag:$0x1] =	stream.indirect.gather @!p0 [hbm4b:s3+s31], $0x40, s0, s31, $0xb8;
	[tilespmem:$0x16800] =	vst v63  }
0x7a: {  	s0 =	sadd.s32 @!p0 $0x468, s29;
	s1 =	simm.s32 @!p0 $0x60;
	s31 =	simm.s32 @!p0 $0x9A00  }
0x7b: {  	[tilespmem:s31], [sflag:$0x1] =	stream.indirect.gather @!p0 [hbm4b:s3+s1], $0x40, s0, s1, $0xb8;
	[tilespmem:$0x16800] =	vst v63  }
0x7c: {  	_ =	swait.ge [sflag:s24], $0x1A00  }
0x7d: {  	[sflag:s24] =	ssyncset.done $0x0  }
0x7e: {  	[sflag:s24] =	ssyncadd.s32 $0xFFFFE600  }
0x7f: {  	_ =	swait.ge [sflag:s24], $0x1800  }
0x80: {  	[sflag:s24] =	ssyncset.done $0x0  }
0x81: {  	s31 =	simm.s32 $0x0;
	[sflag:s24] =	ssyncadd.s32 $0xFFFFE800  }
0x82: {  	v0 =	vld [tilespmem:s31+$0xB3C0]  }
0x83: {  	v1 =	vld [tilespmem:s31+$0xB3D0]  }
0x84: {  	v2 =	vld [tilespmem:s31+$0xB380]  }
0x85: {  	v3 =	vld [tilespmem:s31+$0xB390]  }
0x86: {  	v4 =	vld [tilespmem:s31+$0xB340]  }
0x87: {  	v5 =	vld [tilespmem:s31+$0xB350]  }
0x88: {  	v6 =	vld [tilespmem:s31+$0xB300]  }
0x89: {  	v7 =	vld [tilespmem:s31+$0xB310]  }
0x8a: {  	v9 =	vld [tilespmem:s31+$0xB2C0]  }
0x8b: {  	v8 =	vld [tilespmem:s31+$0xB2D0]  }
0x8c: {  	v11 =	vld [tilespmem:s31+$0xB280]  }
0x8d: {  	v10 =	vld [tilespmem:s31+$0xB290]  }
0x8e: {  	v17 =	vld [tilespmem:s31+$0xB240]  }
0x8f: {  	v16 =	vld [tilespmem:s31+$0xB250]  }
0x90: {  	v19 =	vld [tilespmem:s31+$0xB200]  }
0x91: {  	v14 =	vimm.f32 $0.0e+00;
	v20 =	vld [tilespmem:s31+$0xB210]  }
0x92: {  	v15 =	vimm.f32 $0.0e+00;
	v13 =	vimm.f32 $0.0e+00;
	v12 =	vimm.f32 $0.0e+00;
	s0 =	simm.s32 $0x800;
	v18 =	vld [tilespmem:s31+$0xB220]  }
.LBB2_5:
0x93: {  	p1 =	sne.s32 s0, $0xC000;
	v21 =	vld [tilespmem:s31+$0xB230]  }
0x94: {  	v22 =	vld [tilespmem:s31+$0xB260]  }
0x95: {  	v23 =	vld [tilespmem:s31+$0xB270]  }
0x96: {  	v24 =	vld [tilespmem:s31+$0xB2A0]  }
0x97: {  	v12 =	vadd.f32 v19, v12;
	v15 =	vadd.f32 v20, v15;
	v19 =	vld [tilespmem:s31+$0xB2B0]  }
0x98: {  	v14 =	vadd.f32 v18, v14;
	v13 =	vadd.f32 v21, v13;
	v18 =	vld [tilespmem:s31+$0xB2E0]  }
0x99: {  	v12 =	vadd.f32 v17, v12;
	v15 =	vadd.f32 v16, v15;
	v16 =	vld [tilespmem:s31+$0xB2F0]  }
0x9a: {  	v14 =	vadd.f32 v22, v14;
	v13 =	vadd.f32 v23, v13;
	v17 =	vld [tilespmem:s31+$0xB320]  }
0x9b: {  	v11 =	vadd.f32 v11, v12;
	v10 =	vadd.f32 v10, v15;
	v12 =	vld [tilespmem:s31+$0xB330]  }
0x9c: {  	v14 =	vadd.f32 v24, v14;
	v13 =	vadd.f32 v19, v13;
	v15 =	vld [tilespmem:s31+$0xB360]  }
0x9d: {  	v9 =	vadd.f32 v9, v11;
	v8 =	vadd.f32 v8, v10;
	v10 =	vld [tilespmem:s31+$0xB370]  }
0x9e: {  	v11 =	vadd.f32 v18, v14;
	v13 =	vadd.f32 v16, v13;
	v14 =	vld [tilespmem:s31+$0xB3A0]  }
0x9f: {  	v6 =	vadd.f32 v6, v9;
	v7 =	vadd.f32 v7, v8;
	v8 =	vld [tilespmem:s31+$0xB3B0]  }
0xa0: {  	v9 =	vadd.f32 v17, v11;
	v11 =	vadd.f32 v12, v13;
	v13 =	vld [tilespmem:s31+$0xB3E0]  }
0xa1: {  	v4 =	vadd.f32 v4, v6;
	v5 =	vadd.f32 v5, v7;
	v6 =	vld [tilespmem:s31+$0xB3F0];
	s31 =	sshra.s32 s0, $0x2  }
0xa2: {  	v9 =	vadd.f32 v15, v9;
	v7 =	vld [tilespmem:s31+$0xB3C0];
	v10 =	vadd.f32 v10, v11  }
0xa3: {  	v4 =	vadd.f32 v2, v4;
	v5 =	vadd.f32 v3, v5;
	v11 =	vld [tilespmem:s31+$0xB3D0]  }
0xa4: {  	v9 =	vadd.f32 v14, v9;
	v2 =	vld [tilespmem:s31+$0xB380];
	v8 =	vadd.f32 v8, v10  }
0xa5: {  	v12 =	vadd.f32 v0, v4;
	v15 =	vadd.f32 v1, v5;
	v3 =	vld [tilespmem:s31+$0xB390]  }
0xa6: {  	v14 =	vadd.f32 v13, v9;
	v4 =	vld [tilespmem:s31+$0xB340];
	v13 =	vadd.f32 v6, v8  }
0xa7: {  	v5 =	vld [tilespmem:s31+$0xB350];
	v0 =	vmov v7  }
0xa8: {  	v6 =	vld [tilespmem:s31+$0xB300];
	v1 =	vmov v11  }
0xa9: {  	v7 =	vld [tilespmem:s31+$0xB310]  }
0xaa: {  	v9 =	vld [tilespmem:s31+$0xB2C0]  }
0xab: {  	v8 =	vld [tilespmem:s31+$0xB2D0]  }
0xac: {  	v11 =	vld [tilespmem:s31+$0xB280]  }
0xad: {  	v10 =	vld [tilespmem:s31+$0xB290]  }
.Ltmp3:
0xae: {  	v17 =	vld [tilespmem:s31+$0xB240];
	(pc) =	sbr.rel @p1 .LBB2_5-.Ltmp3, $4  }
0xaf: {  	v16 =	vld [tilespmem:s31+$0xB250]  }
0xb0: {  	v19 =	vld [tilespmem:s31+$0xB200]  }
0xb1: {  	v20 =	vld [tilespmem:s31+$0xB210]  }
0xb2: {  	s0 =	sadd.s32 $0x800, s0;
	v18 =	vld [tilespmem:s31+$0xB220]  }
0xb3: {  	v21 =	vld [tilespmem:s31+$0xB230]  }
0xb4: {  	v22 =	vld [tilespmem:s31+$0xB260]  }
0xb5: {  	v23 =	vld [tilespmem:s31+$0xB270];
	v12 =	vadd.f32 v19, v12  }
0xb6: {  	v19 =	vld [tilespmem:s31+$0xB2A0];
	v15 =	vadd.f32 v20, v15  }
0xb7: {  	v20 =	vld [tilespmem:s31+$0xB2B0];
	v14 =	vadd.f32 v18, v14;
	v12 =	vadd.f32 v17, v12  }
0xb8: {  	v17 =	vld [tilespmem:s31+$0xB2E0];
	v13 =	vadd.f32 v21, v13;
	v15 =	vadd.f32 v16, v15  }
0xb9: {  	v16 =	vld [tilespmem:s31+$0xB2F0];
	v14 =	vadd.f32 v22, v14;
	v11 =	vadd.f32 v11, v12  }
0xba: {  	v12 =	vadd.f32 v23, v13;
	v13 =	vld [tilespmem:s31+$0xB320];
	v10 =	vadd.f32 v10, v15  }
0xbb: {  	v15 =	vld [tilespmem:s31+$0xB330];
	v14 =	vadd.f32 v19, v14;
	v9 =	vadd.f32 v9, v11  }
0xbc: {  	v11 =	vadd.f32 v20, v12;
	v12 =	vld [tilespmem:s31+$0xB360];
	v8 =	vadd.f32 v8, v10  }
0xbd: {  	v10 =	vld [tilespmem:s31+$0xB370];
	v14 =	vadd.f32 v17, v14;
	v6 =	vadd.f32 v6, v9  }
0xbe: {  	v9 =	vadd.f32 v16, v11;
	v11 =	vld [tilespmem:s31+$0xB3A0];
	v7 =	vadd.f32 v7, v8  }
0xbf: {  	v8 =	vld [tilespmem:s31+$0xB3B0];
	v13 =	vadd.f32 v13, v14;
	v4 =	vadd.f32 v4, v6  }
0xc0: {  	v6 =	vadd.f32 v15, v9;
	v9 =	vld [tilespmem:s31+$0xB3E0];
	v5 =	vadd.f32 v5, v7  }
0xc1: {  	v7 =	vld [tilespmem:s31+$0xB3F0];
	v12 =	vadd.f32 v12, v13;
	v2 =	vadd.f32 v2, v4  }
0xc2: {  	v4 =	vadd.f32 v10, v6;
	v3 =	vadd.f32 v3, v5  }
0xc3: {  	v5 =	vadd.f32 v11, v12;
	v0 =	vadd.f32 v0, v2  }
0xc4: {  	v2 =	vadd.f32 v8, v4;
	v1 =	vadd.f32 v1, v3  }
0xc5: {  	v3 =	vadd.f32 v9, v5;
	v0 =	vmul.f32 $4.999999890e-03, v0  }
0xc6: {  	v2 =	vadd.f32 v7, v2;
	v1 =	vmul.f32 $4.999999890e-03, v1  }
0xc7: {  	[tilespmem:s30+$0x14840] =	vst v0;
	v0 =	vmul.f32 $4.999999890e-03, v3  }
0xc8: {  	[tilespmem:s30+$0x14850] =	vst v1;
	v1 =	vmul.f32 $4.999999890e-03, v2  }
0xc9: {  	[tilespmem:s30+$0x14860] =	vst v0  }
0xca: {  	s0 =	sadd.s32 @!p0 $0x500, s29;
	s1 =	simm.s32 @!p0 $0x68;
	s31 =	simm.s32 @!p0 $0xB200;
	[tilespmem:s30+$0x14870] =	vst v1  }
0xcb: {  	[tilespmem:s31], [sflag:$0x1] =	stream.indirect.gather @!p0 [hbm4b:s3+s1], $0x40, s0, s1, $0xb8;
	[tilespmem:$0x16800] =	vst v63  }
0xcc: {  	s0 =	sadd.s32 @!p0 $0x568, s29;
	s1 =	simm.s32 @!p0 $0x60;
	s31 =	simm.s32 @!p0 $0xCC00  }
0xcd: {  	[tilespmem:s31], [sflag:$0x1] =	stream.indirect.gather @!p0 [hbm4b:s3+s1], $0x40, s0, s1, $0xb8;
	[tilespmem:$0x16800] =	vst v63  }
0xce: {  	_ =	swait.ge [sflag:s24], $0x1A00  }
0xcf: {  	[sflag:s24] =	ssyncset.done $0x0  }
0xd0: {  	[sflag:s24] =	ssyncadd.s32 $0xFFFFE600  }
0xd1: {  	_ =	swait.ge [sflag:s24], $0x1800  }
0xd2: {  	[sflag:s24] =	ssyncset.done $0x0  }
0xd3: {  	s31 =	simm.s32 $0x0;
	[sflag:s24] =	ssyncadd.s32 $0xFFFFE800  }
0xd4: {  	v0 =	vld [tilespmem:s31+$0xE5C0]  }
0xd5: {  	v1 =	vld [tilespmem:s31+$0xE5D0]  }
0xd6: {  	v2 =	vld [tilespmem:s31+$0xE580]  }
0xd7: {  	v3 =	vld [tilespmem:s31+$0xE590]  }
0xd8: {  	v4 =	vld [tilespmem:s31+$0xE540]  }
0xd9: {  	v5 =	vld [tilespmem:s31+$0xE550]  }
0xda: {  	v6 =	vld [tilespmem:s31+$0xE500]  }
0xdb: {  	v7 =	vld [tilespmem:s31+$0xE510]  }
0xdc: {  	v9 =	vld [tilespmem:s31+$0xE4C0]  }
0xdd: {  	v8 =	vld [tilespmem:s31+$0xE4D0]  }
0xde: {  	v11 =	vld [tilespmem:s31+$0xE480]  }
0xdf: {  	v10 =	vld [tilespmem:s31+$0xE490]  }
0xe0: {  	v17 =	vld [tilespmem:s31+$0xE440]  }
0xe1: {  	v16 =	vld [tilespmem:s31+$0xE450]  }
0xe2: {  	v19 =	vld [tilespmem:s31+$0xE400]  }
0xe3: {  	v14 =	vimm.f32 $0.0e+00;
	v20 =	vld [tilespmem:s31+$0xE410]  }
0xe4: {  	v15 =	vimm.f32 $0.0e+00;
	v13 =	vimm.f32 $0.0e+00;
	v12 =	vimm.f32 $0.0e+00;
	s0 =	simm.s32 $0x800;
	v18 =	vld [tilespmem:s31+$0xE420]  }
.LBB2_7:
0xe5: {  	p1 =	sne.s32 s0, $0xC000;
	v21 =	vld [tilespmem:s31+$0xE430]  }
0xe6: {  	v22 =	vld [tilespmem:s31+$0xE460]  }
0xe7: {  	v23 =	vld [tilespmem:s31+$0xE470]  }
0xe8: {  	v24 =	vld [tilespmem:s31+$0xE4A0]  }
0xe9: {  	v12 =	vadd.f32 v19, v12;
	v15 =	vadd.f32 v20, v15;
	v19 =	vld [tilespmem:s31+$0xE4B0]  }
0xea: {  	v14 =	vadd.f32 v18, v14;
	v13 =	vadd.f32 v21, v13;
	v18 =	vld [tilespmem:s31+$0xE4E0]  }
0xeb: {  	v12 =	vadd.f32 v17, v12;
	v15 =	vadd.f32 v16, v15;
	v16 =	vld [tilespmem:s31+$0xE4F0]  }
0xec: {  	v14 =	vadd.f32 v22, v14;
	v13 =	vadd.f32 v23, v13;
	v17 =	vld [tilespmem:s31+$0xE520]  }
0xed: {  	v11 =	vadd.f32 v11, v12;
	v10 =	vadd.f32 v10, v15;
	v12 =	vld [tilespmem:s31+$0xE530]  }
0xee: {  	v14 =	vadd.f32 v24, v14;
	v13 =	vadd.f32 v19, v13;
	v15 =	vld [tilespmem:s31+$0xE560]  }
0xef: {  	v9 =	vadd.f32 v9, v11;
	v8 =	vadd.f32 v8, v10;
	v10 =	vld [tilespmem:s31+$0xE570]  }
0xf0: {  	v11 =	vadd.f32 v18, v14;
	v13 =	vadd.f32 v16, v13;
	v14 =	vld [tilespmem:s31+$0xE5A0]  }
0xf1: {  	v6 =	vadd.f32 v6, v9;
	v7 =	vadd.f32 v7, v8;
	v8 =	vld [tilespmem:s31+$0xE5B0]  }
0xf2: {  	v9 =	vadd.f32 v17, v11;
	v11 =	vadd.f32 v12, v13;
	v13 =	vld [tilespmem:s31+$0xE5E0]  }
0xf3: {  	v4 =	vadd.f32 v4, v6;
	v5 =	vadd.f32 v5, v7;
	v6 =	vld [tilespmem:s31+$0xE5F0];
	s31 =	sshra.s32 s0, $0x2  }
0xf4: {  	v9 =	vadd.f32 v15, v9;
	v7 =	vld [tilespmem:s31+$0xE5C0];
	v10 =	vadd.f32 v10, v11  }
0xf5: {  	v4 =	vadd.f32 v2, v4;
	v5 =	vadd.f32 v3, v5;
	v11 =	vld [tilespmem:s31+$0xE5D0]  }
0xf6: {  	v9 =	vadd.f32 v14, v9;
	v2 =	vld [tilespmem:s31+$0xE580];
	v8 =	vadd.f32 v8, v10  }
0xf7: {  	v12 =	vadd.f32 v0, v4;
	v15 =	vadd.f32 v1, v5;
	v3 =	vld [tilespmem:s31+$0xE590]  }
0xf8: {  	v14 =	vadd.f32 v13, v9;
	v4 =	vld [tilespmem:s31+$0xE540];
	v13 =	vadd.f32 v6, v8  }
0xf9: {  	v5 =	vld [tilespmem:s31+$0xE550];
	v0 =	vmov v7  }
0xfa: {  	v6 =	vld [tilespmem:s31+$0xE500];
	v1 =	vmov v11  }
0xfb: {  	v7 =	vld [tilespmem:s31+$0xE510]  }
0xfc: {  	v9 =	vld [tilespmem:s31+$0xE4C0]  }
0xfd: {  	v8 =	vld [tilespmem:s31+$0xE4D0]  }
0xfe: {  	v11 =	vld [tilespmem:s31+$0xE480]  }
0xff: {  	v10 =	vld [tilespmem:s31+$0xE490]  }
.Ltmp4:
0x100: {  	v17 =	vld [tilespmem:s31+$0xE440];
	(pc) =	sbr.rel @p1 .LBB2_7-.Ltmp4, $4  }
0x101: {  	v16 =	vld [tilespmem:s31+$0xE450]  }
0x102: {  	v19 =	vld [tilespmem:s31+$0xE400]  }
0x103: {  	v20 =	vld [tilespmem:s31+$0xE410]  }
0x104: {  	s0 =	sadd.s32 $0x800, s0;
	v18 =	vld [tilespmem:s31+$0xE420]  }
0x105: {  	v21 =	vld [tilespmem:s31+$0xE430]  }
0x106: {  	v22 =	vld [tilespmem:s31+$0xE460]  }
0x107: {  	v23 =	vld [tilespmem:s31+$0xE470];
	v12 =	vadd.f32 v19, v12  }
0x108: {  	v19 =	vld [tilespmem:s31+$0xE4A0];
	v15 =	vadd.f32 v20, v15  }
0x109: {  	v20 =	vld [tilespmem:s31+$0xE4B0];
	v14 =	vadd.f32 v18, v14;
	v12 =	vadd.f32 v17, v12  }
0x10a: {  	v17 =	vld [tilespmem:s31+$0xE4E0];
	v13 =	vadd.f32 v21, v13;
	v15 =	vadd.f32 v16, v15  }
0x10b: {  	v16 =	vld [tilespmem:s31+$0xE4F0];
	v14 =	vadd.f32 v22, v14;
	v11 =	vadd.f32 v11, v12  }
0x10c: {  	v12 =	vadd.f32 v23, v13;
	v13 =	vld [tilespmem:s31+$0xE520];
	v10 =	vadd.f32 v10, v15  }
0x10d: {  	v15 =	vld [tilespmem:s31+$0xE530];
	v14 =	vadd.f32 v19, v14;
	v9 =	vadd.f32 v9, v11  }
0x10e: {  	v11 =	vadd.f32 v20, v12;
	v12 =	vld [tilespmem:s31+$0xE560];
	v8 =	vadd.f32 v8, v10  }
0x10f: {  	v10 =	vld [tilespmem:s31+$0xE570];
	v14 =	vadd.f32 v17, v14;
	v6 =	vadd.f32 v6, v9  }
0x110: {  	v9 =	vadd.f32 v16, v11;
	v11 =	vld [tilespmem:s31+$0xE5A0];
	v7 =	vadd.f32 v7, v8  }
0x111: {  	v8 =	vld [tilespmem:s31+$0xE5B0];
	v13 =	vadd.f32 v13, v14;
	v4 =	vadd.f32 v4, v6  }
0x112: {  	v6 =	vadd.f32 v15, v9;
	v9 =	vld [tilespmem:s31+$0xE5E0];
	v5 =	vadd.f32 v5, v7  }
0x113: {  	v7 =	vld [tilespmem:s31+$0xE5F0];
	v12 =	vadd.f32 v12, v13;
	v2 =	vadd.f32 v2, v4  }
0x114: {  	v4 =	vadd.f32 v10, v6;
	v3 =	vadd.f32 v3, v5  }
0x115: {  	v5 =	vadd.f32 v11, v12;
	v0 =	vadd.f32 v0, v2  }
0x116: {  	v2 =	vadd.f32 v8, v4;
	v1 =	vadd.f32 v1, v3  }
0x117: {  	v3 =	vadd.f32 v9, v5;
	v0 =	vmul.f32 $4.999999890e-03, v0  }
0x118: {  	v2 =	vadd.f32 v7, v2;
	v1 =	vmul.f32 $4.999999890e-03, v1  }
0x119: {  	[tilespmem:s30+$0x14880] =	vst v0;
	v0 =	vmul.f32 $4.999999890e-03, v3  }
0x11a: {  	[tilespmem:s30+$0x14890] =	vst v1;
	v1 =	vmul.f32 $4.999999890e-03, v2  }
0x11b: {  	[tilespmem:s30+$0x148A0] =	vst v0  }
0x11c: {  	s0 =	sadd.s32 @!p0 $0x600, s29;
	s1 =	simm.s32 @!p0 $0x68;
	s31 =	simm.s32 @!p0 $0xE400;
	[tilespmem:s30+$0x148B0] =	vst v1  }
0x11d: {  	[tilespmem:s31], [sflag:$0x1] =	stream.indirect.gather @!p0 [hbm4b:s3+s1], $0x40, s0, s1, $0xb8;
	[tilespmem:$0x16800] =	vst v63  }
0x11e: {  	s0 =	sadd.s32 @!p0 $0x668, s29;
	s1 =	simm.s32 @!p0 $0x60;
	s31 =	simm.s32 @!p0 $0xFE00  }
0x11f: {  	[tilespmem:s31], [sflag:$0x1] =	stream.indirect.gather @!p0 [hbm4b:s3+s1], $0x40, s0, s1, $0xb8;
	[tilespmem:$0x16800] =	vst v63  }
0x120: {  	_ =	swait.ge [sflag:s24], $0x1A00  }
0x121: {  	[sflag:s24] =	ssyncset.done $0x0  }
0x122: {  	[sflag:s24] =	ssyncadd.s32 $0xFFFFE600  }
0x123: {  	_ =	swait.ge [sflag:s24], $0x1800  }
0x124: {  	[sflag:s24] =	ssyncset.done $0x0  }
0x125: {  	s31 =	simm.s32 $0x0;
	[sflag:s24] =	ssyncadd.s32 $0xFFFFE800  }
0x126: {  	v0 =	vld [tilespmem:s31+$0x117C0]  }
0x127: {  	v1 =	vld [tilespmem:s31+$0x117D0]  }
0x128: {  	v2 =	vld [tilespmem:s31+$0x11780]  }
0x129: {  	v3 =	vld [tilespmem:s31+$0x11790]  }
0x12a: {  	v4 =	vld [tilespmem:s31+$0x11740]  }
0x12b: {  	v5 =	vld [tilespmem:s31+$0x11750]  }
0x12c: {  	v6 =	vld [tilespmem:s31+$0x11700]  }
0x12d: {  	v7 =	vld [tilespmem:s31+$0x11710]  }
0x12e: {  	v9 =	vld [tilespmem:s31+$0x116C0]  }
0x12f: {  	v8 =	vld [tilespmem:s31+$0x116D0]  }
0x130: {  	v11 =	vld [tilespmem:s31+$0x11680]  }
0x131: {  	v10 =	vld [tilespmem:s31+$0x11690]  }
0x132: {  	v17 =	vld [tilespmem:s31+$0x11640]  }
0x133: {  	v16 =	vld [tilespmem:s31+$0x11650]  }
0x134: {  	v19 =	vld [tilespmem:s31+$0x11600]  }
0x135: {  	v14 =	vimm.f32 $0.0e+00;
	v20 =	vld [tilespmem:s31+$0x11610]  }
0x136: {  	v15 =	vimm.f32 $0.0e+00;
	v13 =	vimm.f32 $0.0e+00;
	v12 =	vimm.f32 $0.0e+00;
	s0 =	simm.s32 $0x800;
	v18 =	vld [tilespmem:s31+$0x11620]  }
.LBB2_9:
0x137: {  	p1 =	sne.s32 s0, $0xC000;
	v21 =	vld [tilespmem:s31+$0x11630]  }
0x138: {  	v22 =	vld [tilespmem:s31+$0x11660]  }
0x139: {  	v23 =	vld [tilespmem:s31+$0x11670]  }
0x13a: {  	v24 =	vld [tilespmem:s31+$0x116A0]  }
0x13b: {  	v12 =	vadd.f32 v19, v12;
	v15 =	vadd.f32 v20, v15;
	v19 =	vld [tilespmem:s31+$0x116B0]  }
0x13c: {  	v14 =	vadd.f32 v18, v14;
	v13 =	vadd.f32 v21, v13;
	v18 =	vld [tilespmem:s31+$0x116E0]  }
0x13d: {  	v12 =	vadd.f32 v17, v12;
	v15 =	vadd.f32 v16, v15;
	v16 =	vld [tilespmem:s31+$0x116F0]  }
0x13e: {  	v14 =	vadd.f32 v22, v14;
	v13 =	vadd.f32 v23, v13;
	v17 =	vld [tilespmem:s31+$0x11720]  }
0x13f: {  	v11 =	vadd.f32 v11, v12;
	v10 =	vadd.f32 v10, v15;
	v12 =	vld [tilespmem:s31+$0x11730]  }
0x140: {  	v14 =	vadd.f32 v24, v14;
	v13 =	vadd.f32 v19, v13;
	v15 =	vld [tilespmem:s31+$0x11760]  }
0x141: {  	v9 =	vadd.f32 v9, v11;
	v8 =	vadd.f32 v8, v10;
	v10 =	vld [tilespmem:s31+$0x11770]  }
0x142: {  	v11 =	vadd.f32 v18, v14;
	v13 =	vadd.f32 v16, v13;
	v14 =	vld [tilespmem:s31+$0x117A0]  }
0x143: {  	v6 =	vadd.f32 v6, v9;
	v7 =	vadd.f32 v7, v8;
	v8 =	vld [tilespmem:s31+$0x117B0]  }
0x144: {  	v9 =	vadd.f32 v17, v11;
	v11 =	vadd.f32 v12, v13;
	v13 =	vld [tilespmem:s31+$0x117E0]  }
0x145: {  	v4 =	vadd.f32 v4, v6;
	v5 =	vadd.f32 v5, v7;
	v6 =	vld [tilespmem:s31+$0x117F0];
	s31 =	sshra.s32 s0, $0x2  }
0x146: {  	v9 =	vadd.f32 v15, v9;
	v7 =	vld [tilespmem:s31+$0x117C0];
	v10 =	vadd.f32 v10, v11  }
0x147: {  	v4 =	vadd.f32 v2, v4;
	v5 =	vadd.f32 v3, v5;
	v11 =	vld [tilespmem:s31+$0x117D0]  }
0x148: {  	v9 =	vadd.f32 v14, v9;
	v2 =	vld [tilespmem:s31+$0x11780];
	v8 =	vadd.f32 v8, v10  }
0x149: {  	v12 =	vadd.f32 v0, v4;
	v15 =	vadd.f32 v1, v5;
	v3 =	vld [tilespmem:s31+$0x11790]  }
0x14a: {  	v14 =	vadd.f32 v13, v9;
	v4 =	vld [tilespmem:s31+$0x11740];
	v13 =	vadd.f32 v6, v8  }
0x14b: {  	v5 =	vld [tilespmem:s31+$0x11750];
	v0 =	vmov v7  }
0x14c: {  	v6 =	vld [tilespmem:s31+$0x11700];
	v1 =	vmov v11  }
0x14d: {  	v7 =	vld [tilespmem:s31+$0x11710]  }
0x14e: {  	v9 =	vld [tilespmem:s31+$0x116C0]  }
0x14f: {  	v8 =	vld [tilespmem:s31+$0x116D0]  }
0x150: {  	v11 =	vld [tilespmem:s31+$0x11680]  }
0x151: {  	v10 =	vld [tilespmem:s31+$0x11690]  }
.Ltmp5:
0x152: {  	v17 =	vld [tilespmem:s31+$0x11640];
	(pc) =	sbr.rel @p1 .LBB2_9-.Ltmp5, $4  }
0x153: {  	v16 =	vld [tilespmem:s31+$0x11650]  }
0x154: {  	v19 =	vld [tilespmem:s31+$0x11600]  }
0x155: {  	v20 =	vld [tilespmem:s31+$0x11610]  }
0x156: {  	s0 =	sadd.s32 $0x800, s0;
	v18 =	vld [tilespmem:s31+$0x11620]  }
0x157: {  	v21 =	vld [tilespmem:s31+$0x11630]  }
0x158: {  	v22 =	vld [tilespmem:s31+$0x11660]  }
0x159: {  	v23 =	vld [tilespmem:s31+$0x11670];
	v12 =	vadd.f32 v19, v12  }
0x15a: {  	v42 =	vld [tilespmem:s31+$0x116A0];
	v15 =	vadd.f32 v20, v15  }
0x15b: {  	v43 =	vld [tilespmem:s31+$0x116B0];
	v14 =	vadd.f32 v18, v14;
	v12 =	vadd.f32 v17, v12  }
0x15c: {  	v44 =	vld [tilespmem:s31+$0x116E0];
	v13 =	vadd.f32 v21, v13;
	v15 =	vadd.f32 v16, v15  }
0x15d: {  	v45 =	vld [tilespmem:s31+$0x116F0];
	v14 =	vadd.f32 v22, v14;
	v11 =	vadd.f32 v11, v12  }
0x15e: {  	v47 =	vld [tilespmem:s31+$0x11720];
	v46 =	vadd.f32 v23, v13;
	v10 =	vadd.f32 v10, v15  }
0x15f: {  	v48 =	vld [tilespmem:s31+$0x11730];
	v14 =	vadd.f32 v42, v14;
	v9 =	vadd.f32 v9, v11  }
0x160: {  	v50 =	vld [tilespmem:s31+$0x11760];
	v49 =	vadd.f32 v43, v46;
	v8 =	vadd.f32 v8, v10  }
0x161: {  	v51 =	vld [tilespmem:s31+$0x11770];
	v14 =	vadd.f32 v44, v14;
	v6 =	vadd.f32 v6, v9  }
0x162: {  	v53 =	vld [tilespmem:s31+$0x117A0];
	v52 =	vadd.f32 v45, v49;
	v7 =	vadd.f32 v7, v8  }
0x163: {  	v54 =	vld [tilespmem:s31+$0x117B0];
	v13 =	vadd.f32 v47, v14;
	v4 =	vadd.f32 v4, v6  }
0x164: {  	v56 =	vld [tilespmem:s31+$0x117E0];
	v55 =	vadd.f32 v48, v52;
	v5 =	vadd.f32 v5, v7  }
0x165: {  	v57 =	vld [tilespmem:s31+$0x117F0];
	v12 =	vadd.f32 v50, v13;
	v2 =	vadd.f32 v2, v4  }
0x166: {  	v58 =	vadd.f32 v51, v55;
	v3 =	vadd.f32 v3, v5  }
0x167: {  	v59 =	vadd.f32 v53, v12;
	v0 =	vadd.f32 v0, v2  }
0x168: {  	v60 =	vadd.f32 v54, v58;
	v1 =	vadd.f32 v1, v3  }
0x169: {  	v61 =	vadd.f32 v56, v59;
	v0 =	vmul.f32 $4.999999890e-03, v0  }
.Ltmp6:
0x16a: {  	v2 =	vadd.f32 v57, v60;
	v1 =	vmul.f32 $4.999999890e-03, v1;
	(pc) =	sbr.rel @p0 .LBB2_12-.Ltmp6, $4  }
0x16b: {  	[tilespmem:s30+$0x148C0] =	vst v0;
	v62 =	vmul.f32 $4.999999890e-03, v61  }
0x16c: {  	[tilespmem:s30+$0x148D0] =	vst v1;
	v63 =	vmul.f32 $4.999999890e-03, v2  }
0x16d: {  	[tilespmem:s30+$0x148E0] =	vst v62  }
0x16e: {  	[tilespmem:s30+$0x148F0] =	vst v63  }
.Ltmp7:
0x16f: {  	(pc) =	sbr.rel .LBB2_2-.Ltmp7, $4  }
0x170: {  	s0 =	sadd.s32 $0x700, s29  }
0x171: {  	[tilespmem:s21], [sflag:$0x1] =	stream.indirect.gather [hbm4b:s3+s8], $0x40, s0, s8, $0xb8;
	[tilespmem:$0x16800] =	vst v63  }
0x172: {  	s31 =	sadd.s32 $0x768, s29;
	s28 =	sadd.s32 $0x1, s28  }
0x173: {  	[tilespmem:s23], [sflag:$0x1] =	stream.indirect.gather [hbm4b:s3+s10], $0x40, s31, s10, $0xb8;
	[tilespmem:$0x16800] =	vst v63  }
.LBB2_13:
0x174: {  	_ =	sfence.sel $0x180000  }
0x175: {  	[bflag:$0x0] =	sbarrier.arrive $0xFFFF  }
0x176: {  	_ =	strace $0x90000047  }
0x177: {  	s0 =	stileid.u32;
	[bflag:$0x2] =	sbarrier.arrive $0xFFFF  }
0x178: {  	p0 =	sne.s32 s0, $0x0;
	s0 =	rddreg [dreg:$0x3]  }
0x179: {  	s0 =	sadd.s32 @!p0 $0x100000, s0  }
0x17a: {  	[sflag:s0] =	ssyncadd.tile.s32 @!p0 $0x1;
	_ =	shalt  }
.Lfunc_end2:
_tile_overlayer_lowered:
.L_overlay_start_2:
0x17b: {  	(tag) =	ssettag $0x2  }
0x17c: {  	s0 =	rddreg [dreg:$0x0];
	s2 =	stileid.u32  }
0x17d: {  	s1 =	rddreg [dreg:$0x1];
	p0 =	sne.s32 s2, $0x0  }
0x17e: {  	s3 =	rddreg [dreg:$0x2];
	[bflag:$0x3] =	sbarrier.arrive $0xFFFF;
	s2 =	simm.s32 @!p0 $0x1C02  }
0x17f: {  	[timem:s3], [sflag:s2] =	dma.local @!p0 [hbm:s0], s1  }
0x180: {  	s0 =	simm.s32 @!p0 $0x2  }
0x181: {  	_ =	swait.ge @!p0 [sflag:s0], s1  }
0x182: {  	s1 =	ssub.s32 @!p0 $0x0, s1;
	[sflag:s0] =	ssyncset.done @!p0 $0x0  }
0x183: {  	[sflag:s0] =	ssyncadd.s32 @!p0 s1  }
0x184: {  	[bflag:$0x3] =	sbarrier.arrive $0xFFFF  }
0x185: {  	_ =	shalt  }

</sc_bundles>
